<compile_context>
chip_gen: v7x
topology: tpu7x:2x2x1
jax: 0.10.2.dev20260603
libtpu: 0.0.44.dev20260713+nightly
codegen_flags: <defaults>
</compile_context>

<pallas_src>
import jax
import jax.numpy as jnp
from jax import lax
from jax.experimental import pallas as pl
from jax.experimental.pallas import tpu as pltpu
from jax.experimental.pallas import tpu_sc as plsc

N_NODES = 10000
N_PAD = 10240
D_IN = 128
D_HID = 64
W72 = 72
W8 = 8
NC = 2
NS = 16
NW = NC * NS
CH = 128
BM = 1000
RPT = N_PAD // NS
TRPT = N_NODES // NS

_mesh = plsc.VectorSubcoreMesh(core_axis_name="c", subcore_axis_name="s")


def _seg_kernel(n_grp, d):
    assert n_grp % 2 == 0

    def body2(y_hbm, src_hbm, dst_hbm, z_hbm, acc_out,
              src_v, dst_v, rows_a, rows_b, tbl_sh, acc_sh, gsem_a, gsem_b):
        c = lax.axis_index("c")
        s = lax.axis_index("s")
        wid = c * NS + s
        pltpu.sync_copy(src_hbm.at[wid], src_v)
        pltpu.sync_copy(dst_hbm.at[wid], dst_v)
        pltpu.sync_copy(y_hbm.at[pl.ds(s * TRPT, TRPT)],
                        tbl_sh.at[pl.ds(s * TRPT, TRPT)])
        pltpu.sync_copy(z_hbm.at[pl.ds(s * RPT, RPT)],
                        acc_sh.at[pl.ds(s * RPT, RPT)])
        plsc.subcore_barrier()

        def gather(j, buf, sem):
            return pltpu.async_copy(
                tbl_sh.at[src_v.at[lax.min(j, n_grp - 1)]], buf, sem)

        gather(0, rows_a, gsem_a)

        def phase(j, buf, gsem, nxt_buf, nxt_gsem):
            pltpu.make_async_copy(
                tbl_sh.at[src_v.at[lax.min(j, n_grp - 1)]], buf, gsem).wait()
            gather(j + 1, nxt_buf, nxt_gsem)
            pltpu.sync_copy(buf, acc_sh.at[dst_v.at[j]], add=True)

        def pair(jj, carry):
            j = jj * 2
            phase(j, rows_a, gsem_a, rows_b, gsem_b)
            phase(j + 1, rows_b, gsem_b, rows_a, gsem_a)
            return carry

        lax.fori_loop(0, n_grp // 2, pair, 0)
        pltpu.make_async_copy(tbl_sh.at[src_v.at[n_grp - 1]], rows_a,
                              gsem_a).wait()
        plsc.subcore_barrier()
        pltpu.sync_copy(acc_sh.at[pl.ds(s * RPT, RPT)],
                        acc_out.at[c, pl.ds(s * RPT, RPT)])

    scratch = [
        pltpu.VMEM((n_grp, CH), jnp.int32),
        pltpu.VMEM((n_grp, CH), jnp.int32),
    ]
    scratch += [pltpu.VMEM((CH, d), jnp.float32)] * 2
    scratch += [
        pltpu.VMEM_SHARED((N_NODES, d), jnp.float32),
        pltpu.VMEM_SHARED((N_PAD, d), jnp.float32),
    ]
    scratch += [pltpu.SemaphoreType.DMA] * 2
    return pl.kernel(
        body2,
        out_type=jax.ShapeDtypeStruct((NC, N_PAD, d), jnp.float32),
        mesh=_mesh,
        scratch_types=scratch,
        compiler_params=pltpu.CompilerParams(use_tc_tiling_on_sc=False),
    )


def _mm0_call():
    def body(x_ref, w_ref, o_ref):
        y = jnp.dot(x_ref[...], w_ref[...], preferred_element_type=jnp.float32)
        pad = jnp.concatenate(
            [jnp.ones((BM, 1), jnp.float32),
             jnp.zeros((BM, W72 - D_HID - 1), jnp.float32)], axis=1)
        o_ref[...] = jnp.concatenate([y, pad], axis=1)
    return pl.pallas_call(
        body,
        grid=(N_NODES // BM,),
        in_specs=[pl.BlockSpec((BM, D_IN), lambda i: (i, 0)),
                  pl.BlockSpec((D_IN, D_HID), lambda i: (0, 0))],
        out_specs=pl.BlockSpec((BM, W72), lambda i: (i, 0)),
        out_shape=jax.ShapeDtypeStruct((N_PAD, W72), jnp.float32),
    )


def _upd_call(acc_w, hp_w, out_w, next_w, final, first):
    def body(*refs):
        if first:
            (a0, a1, hp, wr, b), rest = refs[:5], refs[5:]
        else:
            (a0, a1, inv_in, hp, wr, b), rest = refs[:6], refs[6:]
        if next_w is not None:
            wl = rest[0]
            outs = rest[1:]
        else:
            outs = rest
        a = a0[0] + a1[0]
        if first:
            cnt = a[:, D_HID:D_HID + 1]
            agg = a[:, :D_HID]
            inv = 1.0 / jnp.maximum(cnt, 1.0)
        else:
            inv = inv_in[...]
            agg = a
        z = agg * inv + jnp.dot(hp[...], wr[...],
                                preferred_element_type=jnp.float32) + b[...]
        if final:
            h = 1.0 / (1.0 + jnp.exp(-z))
        else:
            h = jnp.maximum(z, 0.0)
        if final:
            outs[0][...] = h[:, 0:1]
        else:
            outs[0][...] = h
        if next_w is not None:
            outs[1][...] = jnp.dot(h, wl[...],
                                   preferred_element_type=jnp.float32)
        if first:
            outs[2][...] = inv

    in_specs = [pl.BlockSpec((1, BM, acc_w), lambda i: (0, i, 0)),
                pl.BlockSpec((1, BM, acc_w), lambda i: (1, i, 0))]
    if not first:
        in_specs.append(pl.BlockSpec((BM, 1), lambda i: (i, 0)))
    in_specs += [pl.BlockSpec((BM, hp_w), lambda i: (i, 0)),
                 pl.BlockSpec((hp_w, out_w), lambda i: (0, 0)),
                 pl.BlockSpec((1, out_w), lambda i: (0, 0))]
    h_w = 1 if final else out_w
    out_shape = [jax.ShapeDtypeStruct((N_NODES, h_w), jnp.float32)]
    out_specs = [pl.BlockSpec((BM, h_w), lambda i: (i, 0))]
    if next_w is not None:
        in_specs.append(pl.BlockSpec((out_w, next_w), lambda i: (0, 0)))
        out_shape.append(jax.ShapeDtypeStruct((N_PAD, next_w), jnp.float32))
        out_specs.append(pl.BlockSpec((BM, next_w), lambda i: (i, 0)))
    if first:
        out_shape.append(jax.ShapeDtypeStruct((N_NODES, 1), jnp.float32))
        out_specs.append(pl.BlockSpec((BM, 1), lambda i: (i, 0)))
    f = pl.pallas_call(
        body, grid=(N_NODES // BM,),
        in_specs=in_specs, out_specs=out_specs, out_shape=out_shape,
    )
    if next_w is None:
        return lambda *a: f(*a)[0]
    return f


def kernel(x, edge_index, Wl1, Wr1, b1, Wl2, Wr2, b2, Wl3, Wr3, b3):
    e = edge_index.shape[1]
    n_grp = -(-e // (NW * CH))
    n_grp += n_grp % 2
    e_pad = NW * n_grp * CH
    src = edge_index[0].astype(jnp.int32)
    dst = edge_index[1].astype(jnp.int32)
    src = jnp.concatenate([src, jnp.zeros((e_pad - e,), jnp.int32)])
    dst = jnp.concatenate([dst, jnp.full((e_pad - e,), N_PAD - 1, jnp.int32)])
    srcw = src.reshape(NW, n_grp, CH)
    dstw = dst.reshape(NW, n_grp, CH)

    z72 = jnp.zeros((N_PAD, W72), jnp.float32)
    z64 = jnp.zeros((N_PAD, D_HID), jnp.float32)
    z8 = jnp.zeros((N_PAD, W8), jnp.float32)
    Wl3p = jnp.pad(Wl3, ((0, 0), (0, W8 - 1)))
    Wr3p = jnp.pad(Wr3, ((0, 0), (0, W8 - 1)))
    b3p = jnp.pad(b3, (0, W8 - 1)).reshape(1, W8)

    y1 = _mm0_call()(x, Wl1)
    acc1 = _seg_kernel(n_grp, W72)(y1, srcw, dstw, z72)
    h1, y2, inv = _upd_call(W72, D_IN, D_HID, D_HID, final=False, first=True)(
        acc1, acc1, x, Wr1, b1.reshape(1, D_HID), Wl2)
    acc2 = _seg_kernel(n_grp, D_HID)(y2, srcw, dstw, z64)
    h2, y3 = _upd_call(D_HID, D_HID, D_HID, W8, final=False, first=False)(
        acc2, acc2, inv, h1, Wr2, b2.reshape(1, D_HID), Wl3p)
    acc3 = _seg_kernel(n_grp, W8)(y3, srcw, dstw, z8)
    return _upd_call(W8, D_HID, W8, None, final=True, first=False)(
        acc3, acc3, inv, h2, Wr3p, b3p)

# --- scband reference (transcript-rebuilt; emitter-appended) ---
"""Pipeline reference for scband-fraud-gnn-11338713661809 (READ-ONLY COPY).

The authoritative reference and input builder live on the scoring server;
editing this copy changes nothing except your own understanding.
"""

import jax, jax.numpy as jnp
import numpy as np

N_NODES = 10000
N_EDGES = 320000
D_IN = 128
D_HID = 64
D_OUT = 1


def setup_inputs(seed: int = 0) -> dict:
    key = jax.random.key(seed)
    ks = jax.random.split(key, 12)
    x = jax.random.normal(ks[0], (N_NODES, D_IN), dtype=jnp.float32)
    edge_index = jax.random.randint(ks[1], (2, N_EDGES), 0, N_NODES, dtype=jnp.int64)
    def glorot(k, shape):
        lim = (6.0 / (shape[0] + shape[1])) ** 0.5
        return jax.random.uniform(k, shape, dtype=jnp.float32, minval=-lim, maxval=lim)
    Wl1 = glorot(ks[2], (D_IN, D_HID)); Wr1 = glorot(ks[3], (D_IN, D_HID)); b1 = jnp.zeros((D_HID,), jnp.float32)
    Wl2 = glorot(ks[4], (D_HID, D_HID)); Wr2 = glorot(ks[5], (D_HID, D_HID)); b2 = jnp.zeros((D_HID,), jnp.float32)
    Wl3 = glorot(ks[6], (D_HID, D_OUT)); Wr3 = glorot(ks[7], (D_HID, D_OUT)); b3 = jnp.zeros((D_OUT,), jnp.float32)
    return {"x": x, "edge_index": edge_index, "Wl1": Wl1, "Wr1": Wr1, "b1": b1,
            "Wl2": Wl2, "Wr2": Wr2, "b2": b2, "Wl3": Wl3, "Wr3": Wr3, "b3": b3}


def _sage_conv(x, src, dst, Wl, Wr, b):
    # PyG SAGEConv (aggr='mean'): out = lin_l(mean_{j in N(i)} x_j) + lin_r(x_i)
    msgs = x[src]
    agg = jax.ops.segment_sum(msgs, dst, num_segments=N_NODES)
    cnt = jax.ops.segment_sum(jnp.ones((src.shape[0],), jnp.float32), dst, num_segments=N_NODES)
    agg = agg / jnp.clip(cnt, 1.0, None)[:, None]
    return agg @ Wl + x @ Wr + b


def reference(x, edge_index, Wl1, Wr1, b1, Wl2, Wr2, b2, Wl3, Wr3, b3):
    src = edge_index[0]
    dst = edge_index[1]
    h = _sage_conv(x, src, dst, Wl1, Wr1, b1)
    h = jax.nn.relu(h)
    # dropout is identity in eval mode
    h = _sage_conv(h, src, dst, Wl2, Wr2, b2)
    h = jax.nn.relu(h)
    h = _sage_conv(h, src, dst, Wl3, Wr3, b3)
    return jax.nn.sigmoid(h)

if __name__ == "__main__":
    import jax
    _d = setup_inputs()
    print(jax.jit(kernel)(*tuple(_d.values())))

</pallas_src>

<mosaic_0001>
#map = affine_map<(d0, d1) -> (0, 0)>
#map1 = affine_map<(d0, d1) -> (0, 0, 0)>
module attributes {stable_mosaic.version = 14 : i64} {
  func.func @body2(%arg0: i32, %arg1: i32, %arg2: memref<10240x72xf32, #tpu.memory_space<hbm>>, %arg3: memref<32x80x128xi32, #tpu.memory_space<hbm>>, %arg4: memref<32x80x128xi32, #tpu.memory_space<hbm>>, %arg5: memref<10240x72xf32, #tpu.memory_space<hbm>>, %arg6: memref<2x10240x72xf32, #tpu.memory_space<hbm>>, %arg7: memref<80x128xi32, #tpu.memory_space<vmem>>, %arg8: memref<80x128xi32, #tpu.memory_space<vmem>>, %arg9: memref<128x72xf32, #tpu.memory_space<vmem>>, %arg10: memref<128x72xf32, #tpu.memory_space<vmem>>, %arg11: memref<10000x72xf32, #tpu.memory_space<vmem_shared>>, %arg12: memref<10240x72xf32, #tpu.memory_space<vmem_shared>>, %arg13: memref<!tpu.dma_semaphore, #tpu.memory_space<semaphore_mem>>, %arg14: memref<!tpu.dma_semaphore, #tpu.memory_space<semaphore_mem>>) attributes {dimension_semantics = [#tpu.dimension_semantics<core_parallel>, #tpu.dimension_semantics<subcore_parallel>], iteration_bounds = array<i64: 2, 16>, scalar_prefetch = 0 : i64, scratch_operands = 8 : i64, tpu.core_type = #tpu.core_type<sc_vector_subcore>, window_params = [{transform_indices = #map}, {transform_indices = #map1}, {transform_indices = #map1}, {transform_indices = #map}, {transform_indices = #map1}]} {
    %mul3A = arith.constant 16 : i32
    %mul3A_0 = arith.muli %arg0, %mul3A : i32
    %add3A = arith.addi %mul3A_0, %arg1 : i32
    "tpu.region"() ({
      %run_scoped3A = tpu.sem_alloc : memref<!tpu.dma_semaphore, #tpu.memory_space<semaphore_mem>>
      %dma_start3A_32 = arith.constant 0 : i32
      %dma_start3A_33 = arith.constant 0 : i32
      %dma_start3A_34 = tpu.memref_slice %arg3[%add3A, %dma_start3A_32, %dma_start3A_33] : memref<32x80x128xi32, #tpu.memory_space<hbm>> -> memref<1x80x128xi32, #tpu.memory_space<hbm>>
      %dma_start3A_35 = tpu.memref_squeeze %dma_start3A_34 : memref<1x80x128xi32, #tpu.memory_space<hbm>> -> memref<80x128xi32, #tpu.memory_space<hbm>>
      %dma_start3A_36 = arith.constant 0 : i32
      %dma_start3A_37 = arith.constant 0 : i32
      %dma_start3A_38 = tpu.memref_slice %arg3[%add3A, %dma_start3A_36, %dma_start3A_37] : memref<32x80x128xi32, #tpu.memory_space<hbm>> -> memref<1x80x128xi32, #tpu.memory_space<hbm>>
      %dma_start3A_39 = tpu.memref_squeeze %dma_start3A_38 : memref<1x80x128xi32, #tpu.memory_space<hbm>> -> memref<80x128xi32, #tpu.memory_space<hbm>>
      tpu.enqueue_dma source(%dma_start3A_39 : memref<80x128xi32, #tpu.memory_space<hbm>>) target(%arg7 : memref<80x128xi32, #tpu.memory_space<vmem>>) target_semaphore(%run_scoped3A : memref<!tpu.dma_semaphore, #tpu.memory_space<semaphore_mem>>)
      %dma_wait3A_40 = arith.constant 0 : i32
      %dma_wait3A_41 = arith.constant 0 : i32
      %dma_wait3A_42 = tpu.memref_slice %arg3[%add3A, %dma_wait3A_40, %dma_wait3A_41] : memref<32x80x128xi32, #tpu.memory_space<hbm>> -> memref<1x80x128xi32, #tpu.memory_space<hbm>>
      %dma_wait3A_43 = tpu.memref_squeeze %dma_wait3A_42 : memref<1x80x128xi32, #tpu.memory_space<hbm>> -> memref<80x128xi32, #tpu.memory_space<hbm>>
      %dma_wait3A_44 = arith.constant 0 : i32
      %dma_wait3A_45 = arith.constant 0 : i32
      %dma_wait3A_46 = tpu.memref_slice %arg3[%add3A, %dma_wait3A_44, %dma_wait3A_45] : memref<32x80x128xi32, #tpu.memory_space<hbm>> -> memref<1x80x128xi32, #tpu.memory_space<hbm>>
      %dma_wait3A_47 = tpu.memref_squeeze %dma_wait3A_46 : memref<1x80x128xi32, #tpu.memory_space<hbm>> -> memref<80x128xi32, #tpu.memory_space<hbm>>
      tpu.wait_dma2 semaphore(%run_scoped3A : memref<!tpu.dma_semaphore, #tpu.memory_space<semaphore_mem>>) src(%dma_wait3A_47 : memref<80x128xi32, #tpu.memory_space<hbm>>) dst(%arg7 : memref<80x128xi32, #tpu.memory_space<vmem>>)
      tpu.yield
    }) : () -> ()
    "tpu.region"() ({
      %run_scoped3A = tpu.sem_alloc : memref<!tpu.dma_semaphore, #tpu.memory_space<semaphore_mem>>
      %dma_start3A_32 = arith.constant 0 : i32
      %dma_start3A_33 = arith.constant 0 : i32
      %dma_start3A_34 = tpu.memref_slice %arg4[%add3A, %dma_start3A_32, %dma_start3A_33] : memref<32x80x128xi32, #tpu.memory_space<hbm>> -> memref<1x80x128xi32, #tpu.memory_space<hbm>>
      %dma_start3A_35 = tpu.memref_squeeze %dma_start3A_34 : memref<1x80x128xi32, #tpu.memory_space<hbm>> -> memref<80x128xi32, #tpu.memory_space<hbm>>
      %dma_start3A_36 = arith.constant 0 : i32
      %dma_start3A_37 = arith.constant 0 : i32
      %dma_start3A_38 = tpu.memref_slice %arg4[%add3A, %dma_start3A_36, %dma_start3A_37] : memref<32x80x128xi32, #tpu.memory_space<hbm>> -> memref<1x80x128xi32, #tpu.memory_space<hbm>>
      %dma_start3A_39 = tpu.memref_squeeze %dma_start3A_38 : memref<1x80x128xi32, #tpu.memory_space<hbm>> -> memref<80x128xi32, #tpu.memory_space<hbm>>
      tpu.enqueue_dma source(%dma_start3A_39 : memref<80x128xi32, #tpu.memory_space<hbm>>) target(%arg8 : memref<80x128xi32, #tpu.memory_space<vmem>>) target_semaphore(%run_scoped3A : memref<!tpu.dma_semaphore, #tpu.memory_space<semaphore_mem>>)
      %dma_wait3A_40 = arith.constant 0 : i32
      %dma_wait3A_41 = arith.constant 0 : i32
      %dma_wait3A_42 = tpu.memref_slice %arg4[%add3A, %dma_wait3A_40, %dma_wait3A_41] : memref<32x80x128xi32, #tpu.memory_space<hbm>> -> memref<1x80x128xi32, #tpu.memory_space<hbm>>
      %dma_wait3A_43 = tpu.memref_squeeze %dma_wait3A_42 : memref<1x80x128xi32, #tpu.memory_space<hbm>> -> memref<80x128xi32, #tpu.memory_space<hbm>>
      %dma_wait3A_44 = arith.constant 0 : i32
      %dma_wait3A_45 = arith.constant 0 : i32
      %dma_wait3A_46 = tpu.memref_slice %arg4[%add3A, %dma_wait3A_44, %dma_wait3A_45] : memref<32x80x128xi32, #tpu.memory_space<hbm>> -> memref<1x80x128xi32, #tpu.memory_space<hbm>>
      %dma_wait3A_47 = tpu.memref_squeeze %dma_wait3A_46 : memref<1x80x128xi32, #tpu.memory_space<hbm>> -> memref<80x128xi32, #tpu.memory_space<hbm>>
      tpu.wait_dma2 semaphore(%run_scoped3A : memref<!tpu.dma_semaphore, #tpu.memory_space<semaphore_mem>>) src(%dma_wait3A_47 : memref<80x128xi32, #tpu.memory_space<hbm>>) dst(%arg8 : memref<80x128xi32, #tpu.memory_space<vmem>>)
      tpu.yield
    }) : () -> ()
    %mul3A_1 = arith.constant 625 : i32
    %mul3A_2 = arith.muli %arg1, %mul3A_1 : i32
    %mul3A_3 = arith.constant 625 : i32
    %mul3A_4 = arith.muli %arg1, %mul3A_3 : i32
    "tpu.region"() ({
      %run_scoped3A = tpu.sem_alloc : memref<!tpu.dma_semaphore, #tpu.memory_space<semaphore_mem>>
      %dma_start3A_32 = arith.constant 0 : i32
      %dma_start3A_33 = tpu.memref_slice %arg11[%mul3A_4, %dma_start3A_32] : memref<10000x72xf32, #tpu.memory_space<vmem_shared>> -> memref<625x72xf32, #tpu.memory_space<vmem_shared>>
      %dma_start3A_34 = arith.constant 0 : i32
      %dma_start3A_35 = tpu.memref_slice %arg2[%mul3A_2, %dma_start3A_34] : memref<10240x72xf32, #tpu.memory_space<hbm>> -> memref<625x72xf32, #tpu.memory_space<hbm>>
      tpu.enqueue_dma source(%dma_start3A_35 : memref<625x72xf32, #tpu.memory_space<hbm>>) target(%dma_start3A_33 : memref<625x72xf32, #tpu.memory_space<vmem_shared>>) target_semaphore(%run_scoped3A : memref<!tpu.dma_semaphore, #tpu.memory_space<semaphore_mem>>)
      %dma_wait3A_36 = arith.constant 0 : i32
      %dma_wait3A_37 = tpu.memref_slice %arg11[%mul3A_4, %dma_wait3A_36] : memref<10000x72xf32, #tpu.memory_space<vmem_shared>> -> memref<625x72xf32, #tpu.memory_space<vmem_shared>>
      %dma_wait3A_38 = arith.constant 0 : i32
      %dma_wait3A_39 = tpu.memref_slice %arg2[%mul3A_2, %dma_wait3A_38] : memref<10240x72xf32, #tpu.memory_space<hbm>> -> memref<625x72xf32, #tpu.memory_space<hbm>>
      tpu.wait_dma2 semaphore(%run_scoped3A : memref<!tpu.dma_semaphore, #tpu.memory_space<semaphore_mem>>) src(%dma_wait3A_39 : memref<625x72xf32, #tpu.memory_space<hbm>>) dst(%dma_wait3A_37 : memref<625x72xf32, #tpu.memory_space<vmem_shared>>)
      tpu.yield
    }) : () -> ()
    %mul3A_5 = arith.constant 640 : i32
    %mul3A_6 = arith.muli %arg1, %mul3A_5 : i32
    %mul3A_7 = arith.constant 640 : i32
    %mul3A_8 = arith.muli %arg1, %mul3A_7 : i32
    "tpu.region"() ({
      %run_scoped3A = tpu.sem_alloc : memref<!tpu.dma_semaphore, #tpu.memory_space<semaphore_mem>>
      %dma_start3A_32 = arith.constant 0 : i32
      %dma_start3A_33 = tpu.memref_slice %arg12[%mul3A_8, %dma_start3A_32] : memref<10240x72xf32, #tpu.memory_space<vmem_shared>> -> memref<640x72xf32, #tpu.memory_space<vmem_shared>>
      %dma_start3A_34 = arith.constant 0 : i32
      %dma_start3A_35 = tpu.memref_slice %arg5[%mul3A_6, %dma_start3A_34] : memref<10240x72xf32, #tpu.memory_space<hbm>> -> memref<640x72xf32, #tpu.memory_space<hbm>>
      tpu.enqueue_dma source(%dma_start3A_35 : memref<640x72xf32, #tpu.memory_space<hbm>>) target(%dma_start3A_33 : memref<640x72xf32, #tpu.memory_space<vmem_shared>>) target_semaphore(%run_scoped3A : memref<!tpu.dma_semaphore, #tpu.memory_space<semaphore_mem>>)
      %dma_wait3A_36 = arith.constant 0 : i32
      %dma_wait3A_37 = tpu.memref_slice %arg12[%mul3A_8, %dma_wait3A_36] : memref<10240x72xf32, #tpu.memory_space<vmem_shared>> -> memref<640x72xf32, #tpu.memory_space<vmem_shared>>
      %dma_wait3A_38 = arith.constant 0 : i32
      %dma_wait3A_39 = tpu.memref_slice %arg5[%mul3A_6, %dma_wait3A_38] : memref<10240x72xf32, #tpu.memory_space<hbm>> -> memref<640x72xf32, #tpu.memory_space<hbm>>
      tpu.wait_dma2 semaphore(%run_scoped3A : memref<!tpu.dma_semaphore, #tpu.memory_space<semaphore_mem>>) src(%dma_wait3A_39 : memref<640x72xf32, #tpu.memory_space<hbm>>) dst(%dma_wait3A_37 : memref<640x72xf32, #tpu.memory_space<vmem_shared>>)
      tpu.yield
    }) : () -> ()
    %barrier3A = arith.constant 0 : index
    tpu.barrier barrier_id(%barrier3A)
    %min3A = arith.constant 0 : i32
    %min3A_9 = arith.constant 79 : i32
    %min3A_10 = arith.minsi %min3A, %min3A_9 : i32
    %dma_start3A = arith.constant 0 : i32
    %dma_start3A_11 = tpu.memref_slice %arg7[%min3A_10, %dma_start3A] : memref<80x128xi32, #tpu.memory_space<vmem>> -> memref<1x128xi32, #tpu.memory_space<vmem>>
    %dma_start3A_12 = tpu.memref_squeeze %dma_start3A_11 : memref<1x128xi32, #tpu.memory_space<vmem>> -> memref<128xi32, #tpu.memory_space<vmem>>
    %dma_start3A_13 = arith.constant 0 : i32
    %dma_start3A_14 = arith.constant 0 : i32
    %dma_start3A_15 = tpu.memref_slice %arg11[%dma_start3A_13, %dma_start3A_14] : memref<10000x72xf32, #tpu.memory_space<vmem_shared>> -> memref<10000x72xf32, #tpu.memory_space<vmem_shared>>
    tpu.enqueue_indirect_dma source(%dma_start3A_15 : memref<10000x72xf32, #tpu.memory_space<vmem_shared>>) target(%arg9 : memref<128x72xf32, #tpu.memory_space<vmem>>) offsets(%dma_start3A_12 : memref<128xi32, #tpu.memory_space<vmem>>) semaphore(%arg13 : memref<!tpu.dma_semaphore, #tpu.memory_space<semaphore_mem>>)
    %scan3A = arith.constant 0 : i32
    %scan3A_16 = arith.constant 0 : i32
    %scan3A_17 = arith.constant 40 : i32
    %scan3A_18 = arith.addi %scan3A_16, %scan3A_17 : i32
    %scan3A_19 = arith.constant 1 : i32
    scf.for %scan3A_32 = %scan3A_16 to %scan3A_18 step %scan3A_19  : i32 {
      %mul3A_33 = arith.constant 2 : i32
      %mul3A_34 = arith.muli %scan3A_32, %mul3A_33 : i32
      %min3A_35 = arith.constant 79 : i32
      %min3A_36 = arith.minsi %mul3A_34, %min3A_35 : i32
      %dma_wait3A_37 = arith.constant 0 : i32
      %dma_wait3A_38 = tpu.memref_slice %arg7[%min3A_36, %dma_wait3A_37] : memref<80x128xi32, #tpu.memory_space<vmem>> -> memref<1x128xi32, #tpu.memory_space<vmem>>
      %dma_wait3A_39 = tpu.memref_squeeze %dma_wait3A_38 : memref<1x128xi32, #tpu.memory_space<vmem>> -> memref<128xi32, #tpu.memory_space<vmem>>
      %dma_wait3A_40 = arith.constant 0 : i32
      %dma_wait3A_41 = arith.constant 0 : i32
      %dma_wait3A_42 = tpu.memref_slice %arg11[%dma_wait3A_40, %dma_wait3A_41] : memref<10000x72xf32, #tpu.memory_space<vmem_shared>> -> memref<10000x72xf32, #tpu.memory_space<vmem_shared>>
      tpu.wait_indirect_dma semaphore(%arg13 : memref<!tpu.dma_semaphore, #tpu.memory_space<semaphore_mem>>) src(%dma_wait3A_42 : memref<10000x72xf32, #tpu.memory_space<vmem_shared>>) dst(%arg9 : memref<128x72xf32, #tpu.memory_space<vmem>>)
      %add3A_43 = arith.constant 1 : i32
      %add3A_44 = arith.addi %mul3A_34, %add3A_43 : i32
      %min3A_45 = arith.constant 79 : i32
      %min3A_46 = arith.minsi %add3A_44, %min3A_45 : i32
      %dma_start3A_47 = arith.constant 0 : i32
      %dma_start3A_48 = tpu.memref_slice %arg7[%min3A_46, %dma_start3A_47] : memref<80x128xi32, #tpu.memory_space<vmem>> -> memref<1x128xi32, #tpu.memory_space<vmem>>
      %dma_start3A_49 = tpu.memref_squeeze %dma_start3A_48 : memref<1x128xi32, #tpu.memory_space<vmem>> -> memref<128xi32, #tpu.memory_space<vmem>>
      %dma_start3A_50 = arith.constant 0 : i32
      %dma_start3A_51 = arith.constant 0 : i32
      %dma_start3A_52 = tpu.memref_slice %arg11[%dma_start3A_50, %dma_start3A_51] : memref<10000x72xf32, #tpu.memory_space<vmem_shared>> -> memref<10000x72xf32, #tpu.memory_space<vmem_shared>>
      tpu.enqueue_indirect_dma source(%dma_start3A_52 : memref<10000x72xf32, #tpu.memory_space<vmem_shared>>) target(%arg10 : memref<128x72xf32, #tpu.memory_space<vmem>>) offsets(%dma_start3A_49 : memref<128xi32, #tpu.memory_space<vmem>>) semaphore(%arg14 : memref<!tpu.dma_semaphore, #tpu.memory_space<semaphore_mem>>)
      "tpu.region"() ({
        %run_scoped3A = tpu.sem_alloc : memref<!tpu.dma_semaphore, #tpu.memory_space<semaphore_mem>>
        %dma_start3A_73 = arith.constant 0 : i32
        %dma_start3A_74 = tpu.memref_slice %arg8[%mul3A_34, %dma_start3A_73] : memref<80x128xi32, #tpu.memory_space<vmem>> -> memref<1x128xi32, #tpu.memory_space<vmem>>
        %dma_start3A_75 = tpu.memref_squeeze %dma_start3A_74 : memref<1x128xi32, #tpu.memory_space<vmem>> -> memref<128xi32, #tpu.memory_space<vmem>>
        %dma_start3A_76 = arith.constant 0 : i32
        %dma_start3A_77 = arith.constant 0 : i32
        %dma_start3A_78 = tpu.memref_slice %arg12[%dma_start3A_76, %dma_start3A_77] : memref<10240x72xf32, #tpu.memory_space<vmem_shared>> -> memref<10240x72xf32, #tpu.memory_space<vmem_shared>>
        tpu.enqueue_indirect_dma source(%arg9 : memref<128x72xf32, #tpu.memory_space<vmem>>) target(%dma_start3A_78 : memref<10240x72xf32, #tpu.memory_space<vmem_shared>>) offsets(%dma_start3A_75 : memref<128xi32, #tpu.memory_space<vmem>>) semaphore(%run_scoped3A : memref<!tpu.dma_semaphore, #tpu.memory_space<semaphore_mem>>) {add = true}
        %dma_wait3A_79 = arith.constant 0 : i32
        %dma_wait3A_80 = tpu.memref_slice %arg8[%mul3A_34, %dma_wait3A_79] : memref<80x128xi32, #tpu.memory_space<vmem>> -> memref<1x128xi32, #tpu.memory_space<vmem>>
        %dma_wait3A_81 = tpu.memref_squeeze %dma_wait3A_80 : memref<1x128xi32, #tpu.memory_space<vmem>> -> memref<128xi32, #tpu.memory_space<vmem>>
        %dma_wait3A_82 = arith.constant 0 : i32
        %dma_wait3A_83 = arith.constant 0 : i32
        %dma_wait3A_84 = tpu.memref_slice %arg12[%dma_wait3A_82, %dma_wait3A_83] : memref<10240x72xf32, #tpu.memory_space<vmem_shared>> -> memref<10240x72xf32, #tpu.memory_space<vmem_shared>>
        tpu.wait_indirect_dma semaphore(%run_scoped3A : memref<!tpu.dma_semaphore, #tpu.memory_space<semaphore_mem>>) src(%arg9 : memref<128x72xf32, #tpu.memory_space<vmem>>) dst(%dma_wait3A_84 : memref<10240x72xf32, #tpu.memory_space<vmem_shared>>)
        tpu.yield
      }) : () -> ()
      %add3A_53 = arith.constant 1 : i32
      %add3A_54 = arith.addi %mul3A_34, %add3A_53 : i32
      %min3A_55 = arith.constant 79 : i32
      %min3A_56 = arith.minsi %add3A_54, %min3A_55 : i32
      %dma_wait3A_57 = arith.constant 0 : i32
      %dma_wait3A_58 = tpu.memref_slice %arg7[%min3A_56, %dma_wait3A_57] : memref<80x128xi32, #tpu.memory_space<vmem>> -> memref<1x128xi32, #tpu.memory_space<vmem>>
      %dma_wait3A_59 = tpu.memref_squeeze %dma_wait3A_58 : memref<1x128xi32, #tpu.memory_space<vmem>> -> memref<128xi32, #tpu.memory_space<vmem>>
      %dma_wait3A_60 = arith.constant 0 : i32
      %dma_wait3A_61 = arith.constant 0 : i32
      %dma_wait3A_62 = tpu.memref_slice %arg11[%dma_wait3A_60, %dma_wait3A_61] : memref<10000x72xf32, #tpu.memory_space<vmem_shared>> -> memref<10000x72xf32, #tpu.memory_space<vmem_shared>>
      tpu.wait_indirect_dma semaphore(%arg14 : memref<!tpu.dma_semaphore, #tpu.memory_space<semaphore_mem>>) src(%dma_wait3A_62 : memref<10000x72xf32, #tpu.memory_space<vmem_shared>>) dst(%arg10 : memref<128x72xf32, #tpu.memory_space<vmem>>)
      %add3A_63 = arith.constant 1 : i32
      %add3A_64 = arith.addi %add3A_54, %add3A_63 : i32
      %min3A_65 = arith.constant 79 : i32
      %min3A_66 = arith.minsi %add3A_64, %min3A_65 : i32
      %dma_start3A_67 = arith.constant 0 : i32
      %dma_start3A_68 = tpu.memref_slice %arg7[%min3A_66, %dma_start3A_67] : memref<80x128xi32, #tpu.memory_space<vmem>> -> memref<1x128xi32, #tpu.memory_space<vmem>>
      %dma_start3A_69 = tpu.memref_squeeze %dma_start3A_68 : memref<1x128xi32, #tpu.memory_space<vmem>> -> memref<128xi32, #tpu.memory_space<vmem>>
      %dma_start3A_70 = arith.constant 0 : i32
      %dma_start3A_71 = arith.constant 0 : i32
      %dma_start3A_72 = tpu.memref_slice %arg11[%dma_start3A_70, %dma_start3A_71] : memref<10000x72xf32, #tpu.memory_space<vmem_shared>> -> memref<10000x72xf32, #tpu.memory_space<vmem_shared>>
      tpu.enqueue_indirect_dma source(%dma_start3A_72 : memref<10000x72xf32, #tpu.memory_space<vmem_shared>>) target(%arg9 : memref<128x72xf32, #tpu.memory_space<vmem>>) offsets(%dma_start3A_69 : memref<128xi32, #tpu.memory_space<vmem>>) semaphore(%arg13 : memref<!tpu.dma_semaphore, #tpu.memory_space<semaphore_mem>>)
      "tpu.region"() ({
        %run_scoped3A = tpu.sem_alloc : memref<!tpu.dma_semaphore, #tpu.memory_space<semaphore_mem>>
        %dma_start3A_73 = arith.constant 0 : i32
        %dma_start3A_74 = tpu.memref_slice %arg8[%add3A_54, %dma_start3A_73] : memref<80x128xi32, #tpu.memory_space<vmem>> -> memref<1x128xi32, #tpu.memory_space<vmem>>
        %dma_start3A_75 = tpu.memref_squeeze %dma_start3A_74 : memref<1x128xi32, #tpu.memory_space<vmem>> -> memref<128xi32, #tpu.memory_space<vmem>>
        %dma_start3A_76 = arith.constant 0 : i32
        %dma_start3A_77 = arith.constant 0 : i32
        %dma_start3A_78 = tpu.memref_slice %arg12[%dma_start3A_76, %dma_start3A_77] : memref<10240x72xf32, #tpu.memory_space<vmem_shared>> -> memref<10240x72xf32, #tpu.memory_space<vmem_shared>>
        tpu.enqueue_indirect_dma source(%arg10 : memref<128x72xf32, #tpu.memory_space<vmem>>) target(%dma_start3A_78 : memref<10240x72xf32, #tpu.memory_space<vmem_shared>>) offsets(%dma_start3A_75 : memref<128xi32, #tpu.memory_space<vmem>>) semaphore(%run_scoped3A : memref<!tpu.dma_semaphore, #tpu.memory_space<semaphore_mem>>) {add = true}
        %dma_wait3A_79 = arith.constant 0 : i32
        %dma_wait3A_80 = tpu.memref_slice %arg8[%add3A_54, %dma_wait3A_79] : memref<80x128xi32, #tpu.memory_space<vmem>> -> memref<1x128xi32, #tpu.memory_space<vmem>>
        %dma_wait3A_81 = tpu.memref_squeeze %dma_wait3A_80 : memref<1x128xi32, #tpu.memory_space<vmem>> -> memref<128xi32, #tpu.memory_space<vmem>>
        %dma_wait3A_82 = arith.constant 0 : i32
        %dma_wait3A_83 = arith.constant 0 : i32
        %dma_wait3A_84 = tpu.memref_slice %arg12[%dma_wait3A_82, %dma_wait3A_83] : memref<10240x72xf32, #tpu.memory_space<vmem_shared>> -> memref<10240x72xf32, #tpu.memory_space<vmem_shared>>
        tpu.wait_indirect_dma semaphore(%run_scoped3A : memref<!tpu.dma_semaphore, #tpu.memory_space<semaphore_mem>>) src(%arg10 : memref<128x72xf32, #tpu.memory_space<vmem>>) dst(%dma_wait3A_84 : memref<10240x72xf32, #tpu.memory_space<vmem_shared>>)
        tpu.yield
      }) : () -> ()
    }
    %scan3A_20 = arith.constant 40 : i32
    %dma_wait3A = arith.constant 79 : i32
    %dma_wait3A_21 = arith.constant 0 : i32
    %dma_wait3A_22 = tpu.memref_slice %arg7[%dma_wait3A, %dma_wait3A_21] : memref<80x128xi32, #tpu.memory_space<vmem>> -> memref<1x128xi32, #tpu.memory_space<vmem>>
    %dma_wait3A_23 = tpu.memref_squeeze %dma_wait3A_22 : memref<1x128xi32, #tpu.memory_space<vmem>> -> memref<128xi32, #tpu.memory_space<vmem>>
    %dma_wait3A_24 = arith.constant 0 : i32
    %dma_wait3A_25 = arith.constant 0 : i32
    %dma_wait3A_26 = tpu.memref_slice %arg11[%dma_wait3A_24, %dma_wait3A_25] : memref<10000x72xf32, #tpu.memory_space<vmem_shared>> -> memref<10000x72xf32, #tpu.memory_space<vmem_shared>>
    tpu.wait_indirect_dma semaphore(%arg13 : memref<!tpu.dma_semaphore, #tpu.memory_space<semaphore_mem>>) src(%dma_wait3A_26 : memref<10000x72xf32, #tpu.memory_space<vmem_shared>>) dst(%arg9 : memref<128x72xf32, #tpu.memory_space<vmem>>)
    %barrier3A_27 = arith.constant 0 : index
    tpu.barrier barrier_id(%barrier3A_27)
    %mul3A_28 = arith.constant 640 : i32
    %mul3A_29 = arith.muli %arg1, %mul3A_28 : i32
    %mul3A_30 = arith.constant 640 : i32
    %mul3A_31 = arith.muli %arg1, %mul3A_30 : i32
    "tpu.region"() ({
      %run_scoped3A = tpu.sem_alloc : memref<!tpu.dma_semaphore, #tpu.memory_space<semaphore_mem>>
      %dma_start3A_32 = arith.constant 0 : i32
      %dma_start3A_33 = tpu.memref_slice %arg6[%arg0, %mul3A_31, %dma_start3A_32] : memref<2x10240x72xf32, #tpu.memory_space<hbm>> -> memref<1x640x72xf32, #tpu.memory_space<hbm>>
      %dma_start3A_34 = tpu.memref_squeeze %dma_start3A_33 : memref<1x640x72xf32, #tpu.memory_space<hbm>> -> memref<640x72xf32, #tpu.memory_space<hbm>>
      %dma_start3A_35 = arith.constant 0 : i32
      %dma_start3A_36 = tpu.memref_slice %arg12[%mul3A_29, %dma_start3A_35] : memref<10240x72xf32, #tpu.memory_space<vmem_shared>> -> memref<640x72xf32, #tpu.memory_space<vmem_shared>>
      tpu.enqueue_dma source(%dma_start3A_36 : memref<640x72xf32, #tpu.memory_space<vmem_shared>>) target(%dma_start3A_34 : memref<640x72xf32, #tpu.memory_space<hbm>>) target_semaphore(%run_scoped3A : memref<!tpu.dma_semaphore, #tpu.memory_space<semaphore_mem>>)
      %dma_wait3A_37 = arith.constant 0 : i32
      %dma_wait3A_38 = tpu.memref_slice %arg6[%arg0, %mul3A_31, %dma_wait3A_37] : memref<2x10240x72xf32, #tpu.memory_space<hbm>> -> memref<1x640x72xf32, #tpu.memory_space<hbm>>
      %dma_wait3A_39 = tpu.memref_squeeze %dma_wait3A_38 : memref<1x640x72xf32, #tpu.memory_space<hbm>> -> memref<640x72xf32, #tpu.memory_space<hbm>>
      %dma_wait3A_40 = arith.constant 0 : i32
      %dma_wait3A_41 = tpu.memref_slice %arg12[%mul3A_29, %dma_wait3A_40] : memref<10240x72xf32, #tpu.memory_space<vmem_shared>> -> memref<640x72xf32, #tpu.memory_space<vmem_shared>>
      tpu.wait_dma2 semaphore(%run_scoped3A : memref<!tpu.dma_semaphore, #tpu.memory_space<semaphore_mem>>) src(%dma_wait3A_41 : memref<640x72xf32, #tpu.memory_space<vmem_shared>>) dst(%dma_wait3A_39 : memref<640x72xf32, #tpu.memory_space<hbm>>)
      tpu.yield
    }) : () -> ()
    return
  }
}

#map = affine_map<(d0, d1) -> (0, 0)>
#map1 = affine_map<(d0, d1) -> (0, 0, 0)>
module attributes {stable_mosaic.version = 14 : i64} {
  func.func @body2(%arg0: i32, %arg1: i32, %arg2: memref<10240x8xf32, #tpu.memory_space<hbm>>, %arg3: memref<32x80x128xi32, #tpu.memory_space<hbm>>, %arg4: memref<32x80x128xi32, #tpu.memory_space<hbm>>, %arg5: memref<10240x8xf32, #tpu.memory_space<hbm>>, %arg6: memref<2x10240x8xf32, #tpu.memory_space<hbm>>, %arg7: memref<80x128xi32, #tpu.memory_space<vmem>>, %arg8: memref<80x128xi32, #tpu.memory_space<vmem>>, %arg9: memref<128x8xf32, #tpu.memory_space<vmem>>, %arg10: memref<128x8xf32, #tpu.memory_space<vmem>>, %arg11: memref<10000x8xf32, #tpu.memory_space<vmem_shared>>, %arg12: memref<10240x8xf32, #tpu.memory_space<vmem_shared>>, %arg13: memref<!tpu.dma_semaphore, #tpu.memory_space<semaphore_mem>>, %arg14: memref<!tpu.dma_semaphore, #tpu.memory_space<semaphore_mem>>) attributes {dimension_semantics = [#tpu.dimension_semantics<core_parallel>, #tpu.dimension_semantics<subcore_parallel>], iteration_bounds = array<i64: 2, 16>, scalar_prefetch = 0 : i64, scratch_operands = 8 : i64, tpu.core_type = #tpu.core_type<sc_vector_subcore>, window_params = [{transform_indices = #map}, {transform_indices = #map1}, {transform_indices = #map1}, {transform_indices = #map}, {transform_indices = #map1}]} {
    %mul3A = arith.constant 16 : i32
    %mul3A_0 = arith.muli %arg0, %mul3A : i32
    %add3A = arith.addi %mul3A_0, %arg1 : i32
    "tpu.region"() ({
      %run_scoped3A = tpu.sem_alloc : memref<!tpu.dma_semaphore, #tpu.memory_space<semaphore_mem>>
      %dma_start3A_32 = arith.constant 0 : i32
      %dma_start3A_33 = arith.constant 0 : i32
      %dma_start3A_34 = tpu.memref_slice %arg3[%add3A, %dma_start3A_32, %dma_start3A_33] : memref<32x80x128xi32, #tpu.memory_space<hbm>> -> memref<1x80x128xi32, #tpu.memory_space<hbm>>
      %dma_start3A_35 = tpu.memref_squeeze %dma_start3A_34 : memref<1x80x128xi32, #tpu.memory_space<hbm>> -> memref<80x128xi32, #tpu.memory_space<hbm>>
      %dma_start3A_36 = arith.constant 0 : i32
      %dma_start3A_37 = arith.constant 0 : i32
      %dma_start3A_38 = tpu.memref_slice %arg3[%add3A, %dma_start3A_36, %dma_start3A_37] : memref<32x80x128xi32, #tpu.memory_space<hbm>> -> memref<1x80x128xi32, #tpu.memory_space<hbm>>
      %dma_start3A_39 = tpu.memref_squeeze %dma_start3A_38 : memref<1x80x128xi32, #tpu.memory_space<hbm>> -> memref<80x128xi32, #tpu.memory_space<hbm>>
      tpu.enqueue_dma source(%dma_start3A_39 : memref<80x128xi32, #tpu.memory_space<hbm>>) target(%arg7 : memref<80x128xi32, #tpu.memory_space<vmem>>) target_semaphore(%run_scoped3A : memref<!tpu.dma_semaphore, #tpu.memory_space<semaphore_mem>>)
      %dma_wait3A_40 = arith.constant 0 : i32
      %dma_wait3A_41 = arith.constant 0 : i32
      %dma_wait3A_42 = tpu.memref_slice %arg3[%add3A, %dma_wait3A_40, %dma_wait3A_41] : memref<32x80x128xi32, #tpu.memory_space<hbm>> -> memref<1x80x128xi32, #tpu.memory_space<hbm>>
      %dma_wait3A_43 = tpu.memref_squeeze %dma_wait3A_42 : memref<1x80x128xi32, #tpu.memory_space<hbm>> -> memref<80x128xi32, #tpu.memory_space<hbm>>
      %dma_wait3A_44 = arith.constant 0 : i32
      %dma_wait3A_45 = arith.constant 0 : i32
      %dma_wait3A_46 = tpu.memref_slice %arg3[%add3A, %dma_wait3A_44, %dma_wait3A_45] : memref<32x80x128xi32, #tpu.memory_space<hbm>> -> memref<1x80x128xi32, #tpu.memory_space<hbm>>
      %dma_wait3A_47 = tpu.memref_squeeze %dma_wait3A_46 : memref<1x80x128xi32, #tpu.memory_space<hbm>> -> memref<80x128xi32, #tpu.memory_space<hbm>>
      tpu.wait_dma2 semaphore(%run_scoped3A : memref<!tpu.dma_semaphore, #tpu.memory_space<semaphore_mem>>) src(%dma_wait3A_47 : memref<80x128xi32, #tpu.memory_space<hbm>>) dst(%arg7 : memref<80x128xi32, #tpu.memory_space<vmem>>)
      tpu.yield
    }) : () -> ()
    "tpu.region"() ({
      %run_scoped3A = tpu.sem_alloc : memref<!tpu.dma_semaphore, #tpu.memory_space<semaphore_mem>>
      %dma_start3A_32 = arith.constant 0 : i32
      %dma_start3A_33 = arith.constant 0 : i32
      %dma_start3A_34 = tpu.memref_slice %arg4[%add3A, %dma_start3A_32, %dma_start3A_33] : memref<32x80x128xi32, #tpu.memory_space<hbm>> -> memref<1x80x128xi32, #tpu.memory_space<hbm>>
      %dma_start3A_35 = tpu.memref_squeeze %dma_start3A_34 : memref<1x80x128xi32, #tpu.memory_space<hbm>> -> memref<80x128xi32, #tpu.memory_space<hbm>>
      %dma_start3A_36 = arith.constant 0 : i32
      %dma_start3A_37 = arith.constant 0 : i32
      %dma_start3A_38 = tpu.memref_slice %arg4[%add3A, %dma_start3A_36, %dma_start3A_37] : memref<32x80x128xi32, #tpu.memory_space<hbm>> -> memref<1x80x128xi32, #tpu.memory_space<hbm>>
      %dma_start3A_39 = tpu.memref_squeeze %dma_start3A_38 : memref<1x80x128xi32, #tpu.memory_space<hbm>> -> memref<80x128xi32, #tpu.memory_space<hbm>>
      tpu.enqueue_dma source(%dma_start3A_39 : memref<80x128xi32, #tpu.memory_space<hbm>>) target(%arg8 : memref<80x128xi32, #tpu.memory_space<vmem>>) target_semaphore(%run_scoped3A : memref<!tpu.dma_semaphore, #tpu.memory_space<semaphore_mem>>)
      %dma_wait3A_40 = arith.constant 0 : i32
      %dma_wait3A_41 = arith.constant 0 : i32
      %dma_wait3A_42 = tpu.memref_slice %arg4[%add3A, %dma_wait3A_40, %dma_wait3A_41] : memref<32x80x128xi32, #tpu.memory_space<hbm>> -> memref<1x80x128xi32, #tpu.memory_space<hbm>>
      %dma_wait3A_43 = tpu.memref_squeeze %dma_wait3A_42 : memref<1x80x128xi32, #tpu.memory_space<hbm>> -> memref<80x128xi32, #tpu.memory_space<hbm>>
      %dma_wait3A_44 = arith.constant 0 : i32
      %dma_wait3A_45 = arith.constant 0 : i32
      %dma_wait3A_46 = tpu.memref_slice %arg4[%add3A, %dma_wait3A_44, %dma_wait3A_45] : memref<32x80x128xi32, #tpu.memory_space<hbm>> -> memref<1x80x128xi32, #tpu.memory_space<hbm>>
      %dma_wait3A_47 = tpu.memref_squeeze %dma_wait3A_46 : memref<1x80x128xi32, #tpu.memory_space<hbm>> -> memref<80x128xi32, #tpu.memory_space<hbm>>
      tpu.wait_dma2 semaphore(%run_scoped3A : memref<!tpu.dma_semaphore, #tpu.memory_space<semaphore_mem>>) src(%dma_wait3A_47 : memref<80x128xi32, #tpu.memory_space<hbm>>) dst(%arg8 : memref<80x128xi32, #tpu.memory_space<vmem>>)
      tpu.yield
    }) : () -> ()
    %mul3A_1 = arith.constant 625 : i32
    %mul3A_2 = arith.muli %arg1, %mul3A_1 : i32
    %mul3A_3 = arith.constant 625 : i32
    %mul3A_4 = arith.muli %arg1, %mul3A_3 : i32
    "tpu.region"() ({
      %run_scoped3A = tpu.sem_alloc : memref<!tpu.dma_semaphore, #tpu.memory_space<semaphore_mem>>
      %dma_start3A_32 = arith.constant 0 : i32
      %dma_start3A_33 = tpu.memref_slice %arg11[%mul3A_4, %dma_start3A_32] : memref<10000x8xf32, #tpu.memory_space<vmem_shared>> -> memref<625x8xf32, #tpu.memory_space<vmem_shared>>
      %dma_start3A_34 = arith.constant 0 : i32
      %dma_start3A_35 = tpu.memref_slice %arg2[%mul3A_2, %dma_start3A_34] : memref<10240x8xf32, #tpu.memory_space<hbm>> -> memref<625x8xf32, #tpu.memory_space<hbm>>
      tpu.enqueue_dma source(%dma_start3A_35 : memref<625x8xf32, #tpu.memory_space<hbm>>) target(%dma_start3A_33 : memref<625x8xf32, #tpu.memory_space<vmem_shared>>) target_semaphore(%run_scoped3A : memref<!tpu.dma_semaphore, #tpu.memory_space<semaphore_mem>>)
      %dma_wait3A_36 = arith.constant 0 : i32
      %dma_wait3A_37 = tpu.memref_slice %arg11[%mul3A_4, %dma_wait3A_36] : memref<10000x8xf32, #tpu.memory_space<vmem_shared>> -> memref<625x8xf32, #tpu.memory_space<vmem_shared>>
      %dma_wait3A_38 = arith.constant 0 : i32
      %dma_wait3A_39 = tpu.memref_slice %arg2[%mul3A_2, %dma_wait3A_38] : memref<10240x8xf32, #tpu.memory_space<hbm>> -> memref<625x8xf32, #tpu.memory_space<hbm>>
      tpu.wait_dma2 semaphore(%run_scoped3A : memref<!tpu.dma_semaphore, #tpu.memory_space<semaphore_mem>>) src(%dma_wait3A_39 : memref<625x8xf32, #tpu.memory_space<hbm>>) dst(%dma_wait3A_37 : memref<625x8xf32, #tpu.memory_space<vmem_shared>>)
      tpu.yield
    }) : () -> ()
    %mul3A_5 = arith.constant 640 : i32
    %mul3A_6 = arith.muli %arg1, %mul3A_5 : i32
    %mul3A_7 = arith.constant 640 : i32
    %mul3A_8 = arith.muli %arg1, %mul3A_7 : i32
    "tpu.region"() ({
      %run_scoped3A = tpu.sem_alloc : memref<!tpu.dma_semaphore, #tpu.memory_space<semaphore_mem>>
      %dma_start3A_32 = arith.constant 0 : i32
      %dma_start3A_33 = tpu.memref_slice %arg12[%mul3A_8, %dma_start3A_32] : memref<10240x8xf32, #tpu.memory_space<vmem_shared>> -> memref<640x8xf32, #tpu.memory_space<vmem_shared>>
      %dma_start3A_34 = arith.constant 0 : i32
      %dma_start3A_35 = tpu.memref_slice %arg5[%mul3A_6, %dma_start3A_34] : memref<10240x8xf32, #tpu.memory_space<hbm>> -> memref<640x8xf32, #tpu.memory_space<hbm>>
      tpu.enqueue_dma source(%dma_start3A_35 : memref<640x8xf32, #tpu.memory_space<hbm>>) target(%dma_start3A_33 : memref<640x8xf32, #tpu.memory_space<vmem_shared>>) target_semaphore(%run_scoped3A : memref<!tpu.dma_semaphore, #tpu.memory_space<semaphore_mem>>)
      %dma_wait3A_36 = arith.constant 0 : i32
      %dma_wait3A_37 = tpu.memref_slice %arg12[%mul3A_8, %dma_wait3A_36] : memref<10240x8xf32, #tpu.memory_space<vmem_shared>> -> memref<640x8xf32, #tpu.memory_space<vmem_shared>>
      %dma_wait3A_38 = arith.constant 0 : i32
      %dma_wait3A_39 = tpu.memref_slice %arg5[%mul3A_6, %dma_wait3A_38] : memref<10240x8xf32, #tpu.memory_space<hbm>> -> memref<640x8xf32, #tpu.memory_space<hbm>>
      tpu.wait_dma2 semaphore(%run_scoped3A : memref<!tpu.dma_semaphore, #tpu.memory_space<semaphore_mem>>) src(%dma_wait3A_39 : memref<640x8xf32, #tpu.memory_space<hbm>>) dst(%dma_wait3A_37 : memref<640x8xf32, #tpu.memory_space<vmem_shared>>)
      tpu.yield
    }) : () -> ()
    %barrier3A = arith.constant 0 : index
    tpu.barrier barrier_id(%barrier3A)
    %min3A = arith.constant 0 : i32
    %min3A_9 = arith.constant 79 : i32
    %min3A_10 = arith.minsi %min3A, %min3A_9 : i32
    %dma_start3A = arith.constant 0 : i32
    %dma_start3A_11 = tpu.memref_slice %arg7[%min3A_10, %dma_start3A] : memref<80x128xi32, #tpu.memory_space<vmem>> -> memref<1x128xi32, #tpu.memory_space<vmem>>
    %dma_start3A_12 = tpu.memref_squeeze %dma_start3A_11 : memref<1x128xi32, #tpu.memory_space<vmem>> -> memref<128xi32, #tpu.memory_space<vmem>>
    %dma_start3A_13 = arith.constant 0 : i32
    %dma_start3A_14 = arith.constant 0 : i32
    %dma_start3A_15 = tpu.memref_slice %arg11[%dma_start3A_13, %dma_start3A_14] : memref<10000x8xf32, #tpu.memory_space<vmem_shared>> -> memref<10000x8xf32, #tpu.memory_space<vmem_shared>>
    tpu.enqueue_indirect_dma source(%dma_start3A_15 : memref<10000x8xf32, #tpu.memory_space<vmem_shared>>) target(%arg9 : memref<128x8xf32, #tpu.memory_space<vmem>>) offsets(%dma_start3A_12 : memref<128xi32, #tpu.memory_space<vmem>>) semaphore(%arg13 : memref<!tpu.dma_semaphore, #tpu.memory_space<semaphore_mem>>)
    %scan3A = arith.constant 0 : i32
    %scan3A_16 = arith.constant 0 : i32
    %scan3A_17 = arith.constant 40 : i32
    %scan3A_18 = arith.addi %scan3A_16, %scan3A_17 : i32
    %scan3A_19 = arith.constant 1 : i32
    scf.for %scan3A_32 = %scan3A_16 to %scan3A_18 step %scan3A_19  : i32 {
      %mul3A_33 = arith.constant 2 : i32
      %mul3A_34 = arith.muli %scan3A_32, %mul3A_33 : i32
      %min3A_35 = arith.constant 79 : i32
      %min3A_36 = arith.minsi %mul3A_34, %min3A_35 : i32
      %dma_wait3A_37 = arith.constant 0 : i32
      %dma_wait3A_38 = tpu.memref_slice %arg7[%min3A_36, %dma_wait3A_37] : memref<80x128xi32, #tpu.memory_space<vmem>> -> memref<1x128xi32, #tpu.memory_space<vmem>>
      %dma_wait3A_39 = tpu.memref_squeeze %dma_wait3A_38 : memref<1x128xi32, #tpu.memory_space<vmem>> -> memref<128xi32, #tpu.memory_space<vmem>>
      %dma_wait3A_40 = arith.constant 0 : i32
      %dma_wait3A_41 = arith.constant 0 : i32
      %dma_wait3A_42 = tpu.memref_slice %arg11[%dma_wait3A_40, %dma_wait3A_41] : memref<10000x8xf32, #tpu.memory_space<vmem_shared>> -> memref<10000x8xf32, #tpu.memory_space<vmem_shared>>
      tpu.wait_indirect_dma semaphore(%arg13 : memref<!tpu.dma_semaphore, #tpu.memory_space<semaphore_mem>>) src(%dma_wait3A_42 : memref<10000x8xf32, #tpu.memory_space<vmem_shared>>) dst(%arg9 : memref<128x8xf32, #tpu.memory_space<vmem>>)
      %add3A_43 = arith.constant 1 : i32
      %add3A_44 = arith.addi %mul3A_34, %add3A_43 : i32
      %min3A_45 = arith.constant 79 : i32
      %min3A_46 = arith.minsi %add3A_44, %min3A_45 : i32
      %dma_start3A_47 = arith.constant 0 : i32
      %dma_start3A_48 = tpu.memref_slice %arg7[%min3A_46, %dma_start3A_47] : memref<80x128xi32, #tpu.memory_space<vmem>> -> memref<1x128xi32, #tpu.memory_space<vmem>>
      %dma_start3A_49 = tpu.memref_squeeze %dma_start3A_48 : memref<1x128xi32, #tpu.memory_space<vmem>> -> memref<128xi32, #tpu.memory_space<vmem>>
      %dma_start3A_50 = arith.constant 0 : i32
      %dma_start3A_51 = arith.constant 0 : i32
      %dma_start3A_52 = tpu.memref_slice %arg11[%dma_start3A_50, %dma_start3A_51] : memref<10000x8xf32, #tpu.memory_space<vmem_shared>> -> memref<10000x8xf32, #tpu.memory_space<vmem_shared>>
      tpu.enqueue_indirect_dma source(%dma_start3A_52 : memref<10000x8xf32, #tpu.memory_space<vmem_shared>>) target(%arg10 : memref<128x8xf32, #tpu.memory_space<vmem>>) offsets(%dma_start3A_49 : memref<128xi32, #tpu.memory_space<vmem>>) semaphore(%arg14 : memref<!tpu.dma_semaphore, #tpu.memory_space<semaphore_mem>>)
      "tpu.region"() ({
        %run_scoped3A = tpu.sem_alloc : memref<!tpu.dma_semaphore, #tpu.memory_space<semaphore_mem>>
        %dma_start3A_73 = arith.constant 0 : i32
        %dma_start3A_74 = tpu.memref_slice %arg8[%mul3A_34, %dma_start3A_73] : memref<80x128xi32, #tpu.memory_space<vmem>> -> memref<1x128xi32, #tpu.memory_space<vmem>>
        %dma_start3A_75 = tpu.memref_squeeze %dma_start3A_74 : memref<1x128xi32, #tpu.memory_space<vmem>> -> memref<128xi32, #tpu.memory_space<vmem>>
        %dma_start3A_76 = arith.constant 0 : i32
        %dma_start3A_77 = arith.constant 0 : i32
        %dma_start3A_78 = tpu.memref_slice %arg12[%dma_start3A_76, %dma_start3A_77] : memref<10240x8xf32, #tpu.memory_space<vmem_shared>> -> memref<10240x8xf32, #tpu.memory_space<vmem_shared>>
        tpu.enqueue_indirect_dma source(%arg9 : memref<128x8xf32, #tpu.memory_space<vmem>>) target(%dma_start3A_78 : memref<10240x8xf32, #tpu.memory_space<vmem_shared>>) offsets(%dma_start3A_75 : memref<128xi32, #tpu.memory_space<vmem>>) semaphore(%run_scoped3A : memref<!tpu.dma_semaphore, #tpu.memory_space<semaphore_mem>>) {add = true}
        %dma_wait3A_79 = arith.constant 0 : i32
        %dma_wait3A_80 = tpu.memref_slice %arg8[%mul3A_34, %dma_wait3A_79] : memref<80x128xi32, #tpu.memory_space<vmem>> -> memref<1x128xi32, #tpu.memory_space<vmem>>
        %dma_wait3A_81 = tpu.memref_squeeze %dma_wait3A_80 : memref<1x128xi32, #tpu.memory_space<vmem>> -> memref<128xi32, #tpu.memory_space<vmem>>
        %dma_wait3A_82 = arith.constant 0 : i32
        %dma_wait3A_83 = arith.constant 0 : i32
        %dma_wait3A_84 = tpu.memref_slice %arg12[%dma_wait3A_82, %dma_wait3A_83] : memref<10240x8xf32, #tpu.memory_space<vmem_shared>> -> memref<10240x8xf32, #tpu.memory_space<vmem_shared>>
        tpu.wait_indirect_dma semaphore(%run_scoped3A : memref<!tpu.dma_semaphore, #tpu.memory_space<semaphore_mem>>) src(%arg9 : memref<128x8xf32, #tpu.memory_space<vmem>>) dst(%dma_wait3A_84 : memref<10240x8xf32, #tpu.memory_space<vmem_shared>>)
        tpu.yield
      }) : () -> ()
      %add3A_53 = arith.constant 1 : i32
      %add3A_54 = arith.addi %mul3A_34, %add3A_53 : i32
      %min3A_55 = arith.constant 79 : i32
      %min3A_56 = arith.minsi %add3A_54, %min3A_55 : i32
      %dma_wait3A_57 = arith.constant 0 : i32
      %dma_wait3A_58 = tpu.memref_slice %arg7[%min3A_56, %dma_wait3A_57] : memref<80x128xi32, #tpu.memory_space<vmem>> -> memref<1x128xi32, #tpu.memory_space<vmem>>
      %dma_wait3A_59 = tpu.memref_squeeze %dma_wait3A_58 : memref<1x128xi32, #tpu.memory_space<vmem>> -> memref<128xi32, #tpu.memory_space<vmem>>
      %dma_wait3A_60 = arith.constant 0 : i32
      %dma_wait3A_61 = arith.constant 0 : i32
      %dma_wait3A_62 = tpu.memref_slice %arg11[%dma_wait3A_60, %dma_wait3A_61] : memref<10000x8xf32, #tpu.memory_space<vmem_shared>> -> memref<10000x8xf32, #tpu.memory_space<vmem_shared>>
      tpu.wait_indirect_dma semaphore(%arg14 : memref<!tpu.dma_semaphore, #tpu.memory_space<semaphore_mem>>) src(%dma_wait3A_62 : memref<10000x8xf32, #tpu.memory_space<vmem_shared>>) dst(%arg10 : memref<128x8xf32, #tpu.memory_space<vmem>>)
      %add3A_63 = arith.constant 1 : i32
      %add3A_64 = arith.addi %add3A_54, %add3A_63 : i32
      %min3A_65 = arith.constant 79 : i32
      %min3A_66 = arith.minsi %add3A_64, %min3A_65 : i32
      %dma_start3A_67 = arith.constant 0 : i32
      %dma_start3A_68 = tpu.memref_slice %arg7[%min3A_66, %dma_start3A_67] : memref<80x128xi32, #tpu.memory_space<vmem>> -> memref<1x128xi32, #tpu.memory_space<vmem>>
      %dma_start3A_69 = tpu.memref_squeeze %dma_start3A_68 : memref<1x128xi32, #tpu.memory_space<vmem>> -> memref<128xi32, #tpu.memory_space<vmem>>
      %dma_start3A_70 = arith.constant 0 : i32
      %dma_start3A_71 = arith.constant 0 : i32
      %dma_start3A_72 = tpu.memref_slice %arg11[%dma_start3A_70, %dma_start3A_71] : memref<10000x8xf32, #tpu.memory_space<vmem_shared>> -> memref<10000x8xf32, #tpu.memory_space<vmem_shared>>
      tpu.enqueue_indirect_dma source(%dma_start3A_72 : memref<10000x8xf32, #tpu.memory_space<vmem_shared>>) target(%arg9 : memref<128x8xf32, #tpu.memory_space<vmem>>) offsets(%dma_start3A_69 : memref<128xi32, #tpu.memory_space<vmem>>) semaphore(%arg13 : memref<!tpu.dma_semaphore, #tpu.memory_space<semaphore_mem>>)
      "tpu.region"() ({
        %run_scoped3A = tpu.sem_alloc : memref<!tpu.dma_semaphore, #tpu.memory_space<semaphore_mem>>
        %dma_start3A_73 = arith.constant 0 : i32
        %dma_start3A_74 = tpu.memref_slice %arg8[%add3A_54, %dma_start3A_73] : memref<80x128xi32, #tpu.memory_space<vmem>> -> memref<1x128xi32, #tpu.memory_space<vmem>>
        %dma_start3A_75 = tpu.memref_squeeze %dma_start3A_74 : memref<1x128xi32, #tpu.memory_space<vmem>> -> memref<128xi32, #tpu.memory_space<vmem>>
        %dma_start3A_76 = arith.constant 0 : i32
        %dma_start3A_77 = arith.constant 0 : i32
        %dma_start3A_78 = tpu.memref_slice %arg12[%dma_start3A_76, %dma_start3A_77] : memref<10240x8xf32, #tpu.memory_space<vmem_shared>> -> memref<10240x8xf32, #tpu.memory_space<vmem_shared>>
        tpu.enqueue_indirect_dma source(%arg10 : memref<128x8xf32, #tpu.memory_space<vmem>>) target(%dma_start3A_78 : memref<10240x8xf32, #tpu.memory_space<vmem_shared>>) offsets(%dma_start3A_75 : memref<128xi32, #tpu.memory_space<vmem>>) semaphore(%run_scoped3A : memref<!tpu.dma_semaphore, #tpu.memory_space<semaphore_mem>>) {add = true}
        %dma_wait3A_79 = arith.constant 0 : i32
        %dma_wait3A_80 = tpu.memref_slice %arg8[%add3A_54, %dma_wait3A_79] : memref<80x128xi32, #tpu.memory_space<vmem>> -> memref<1x128xi32, #tpu.memory_space<vmem>>
        %dma_wait3A_81 = tpu.memref_squeeze %dma_wait3A_80 : memref<1x128xi32, #tpu.memory_space<vmem>> -> memref<128xi32, #tpu.memory_space<vmem>>
        %dma_wait3A_82 = arith.constant 0 : i32
        %dma_wait3A_83 = arith.constant 0 : i32
        %dma_wait3A_84 = tpu.memref_slice %arg12[%dma_wait3A_82, %dma_wait3A_83] : memref<10240x8xf32, #tpu.memory_space<vmem_shared>> -> memref<10240x8xf32, #tpu.memory_space<vmem_shared>>
        tpu.wait_indirect_dma semaphore(%run_scoped3A : memref<!tpu.dma_semaphore, #tpu.memory_space<semaphore_mem>>) src(%arg10 : memref<128x8xf32, #tpu.memory_space<vmem>>) dst(%dma_wait3A_84 : memref<10240x8xf32, #tpu.memory_space<vmem_shared>>)
        tpu.yield
      }) : () -> ()
    }
    %scan3A_20 = arith.constant 40 : i32
    %dma_wait3A = arith.constant 79 : i32
    %dma_wait3A_21 = arith.constant 0 : i32
    %dma_wait3A_22 = tpu.memref_slice %arg7[%dma_wait3A, %dma_wait3A_21] : memref<80x128xi32, #tpu.memory_space<vmem>> -> memref<1x128xi32, #tpu.memory_space<vmem>>
    %dma_wait3A_23 = tpu.memref_squeeze %dma_wait3A_22 : memref<1x128xi32, #tpu.memory_space<vmem>> -> memref<128xi32, #tpu.memory_space<vmem>>
    %dma_wait3A_24 = arith.constant 0 : i32
    %dma_wait3A_25 = arith.constant 0 : i32
    %dma_wait3A_26 = tpu.memref_slice %arg11[%dma_wait3A_24, %dma_wait3A_25] : memref<10000x8xf32, #tpu.memory_space<vmem_shared>> -> memref<10000x8xf32, #tpu.memory_space<vmem_shared>>
    tpu.wait_indirect_dma semaphore(%arg13 : memref<!tpu.dma_semaphore, #tpu.memory_space<semaphore_mem>>) src(%dma_wait3A_26 : memref<10000x8xf32, #tpu.memory_space<vmem_shared>>) dst(%arg9 : memref<128x8xf32, #tpu.memory_space<vmem>>)
    %barrier3A_27 = arith.constant 0 : index
    tpu.barrier barrier_id(%barrier3A_27)
    %mul3A_28 = arith.constant 640 : i32
    %mul3A_29 = arith.muli %arg1, %mul3A_28 : i32
    %mul3A_30 = arith.constant 640 : i32
    %mul3A_31 = arith.muli %arg1, %mul3A_30 : i32
    "tpu.region"() ({
      %run_scoped3A = tpu.sem_alloc : memref<!tpu.dma_semaphore, #tpu.memory_space<semaphore_mem>>
      %dma_start3A_32 = arith.constant 0 : i32
      %dma_start3A_33 = tpu.memref_slice %arg6[%arg0, %mul3A_31, %dma_start3A_32] : memref<2x10240x8xf32, #tpu.memory_space<hbm>> -> memref<1x640x8xf32, #tpu.memory_space<hbm>>
      %dma_start3A_34 = tpu.memref_squeeze %dma_start3A_33 : memref<1x640x8xf32, #tpu.memory_space<hbm>> -> memref<640x8xf32, #tpu.memory_space<hbm>>
      %dma_start3A_35 = arith.constant 0 : i32
      %dma_start3A_36 = tpu.memref_slice %arg12[%mul3A_29, %dma_start3A_35] : memref<10240x8xf32, #tpu.memory_space<vmem_shared>> -> memref<640x8xf32, #tpu.memory_space<vmem_shared>>
      tpu.enqueue_dma source(%dma_start3A_36 : memref<640x8xf32, #tpu.memory_space<vmem_shared>>) target(%dma_start3A_34 : memref<640x8xf32, #tpu.memory_space<hbm>>) target_semaphore(%run_scoped3A : memref<!tpu.dma_semaphore, #tpu.memory_space<semaphore_mem>>)
      %dma_wait3A_37 = arith.constant 0 : i32
      %dma_wait3A_38 = tpu.memref_slice %arg6[%arg0, %mul3A_31, %dma_wait3A_37] : memref<2x10240x8xf32, #tpu.memory_space<hbm>> -> memref<1x640x8xf32, #tpu.memory_space<hbm>>
      %dma_wait3A_39 = tpu.memref_squeeze %dma_wait3A_38 : memref<1x640x8xf32, #tpu.memory_space<hbm>> -> memref<640x8xf32, #tpu.memory_space<hbm>>
      %dma_wait3A_40 = arith.constant 0 : i32
      %dma_wait3A_41 = tpu.memref_slice %arg12[%mul3A_29, %dma_wait3A_40] : memref<10240x8xf32, #tpu.memory_space<vmem_shared>> -> memref<640x8xf32, #tpu.memory_space<vmem_shared>>
      tpu.wait_dma2 semaphore(%run_scoped3A : memref<!tpu.dma_semaphore, #tpu.memory_space<semaphore_mem>>) src(%dma_wait3A_41 : memref<640x8xf32, #tpu.memory_space<vmem_shared>>) dst(%dma_wait3A_39 : memref<640x8xf32, #tpu.memory_space<hbm>>)
      tpu.yield
    }) : () -> ()
    return
  }
}

#map = affine_map<(d0, d1) -> (0, 0)>
#map1 = affine_map<(d0, d1) -> (0, 0, 0)>
module attributes {stable_mosaic.version = 14 : i64} {
  func.func @body2(%arg0: i32, %arg1: i32, %arg2: memref<10240x64xf32, #tpu.memory_space<hbm>>, %arg3: memref<32x80x128xi32, #tpu.memory_space<hbm>>, %arg4: memref<32x80x128xi32, #tpu.memory_space<hbm>>, %arg5: memref<10240x64xf32, #tpu.memory_space<hbm>>, %arg6: memref<2x10240x64xf32, #tpu.memory_space<hbm>>, %arg7: memref<80x128xi32, #tpu.memory_space<vmem>>, %arg8: memref<80x128xi32, #tpu.memory_space<vmem>>, %arg9: memref<128x64xf32, #tpu.memory_space<vmem>>, %arg10: memref<128x64xf32, #tpu.memory_space<vmem>>, %arg11: memref<10000x64xf32, #tpu.memory_space<vmem_shared>>, %arg12: memref<10240x64xf32, #tpu.memory_space<vmem_shared>>, %arg13: memref<!tpu.dma_semaphore, #tpu.memory_space<semaphore_mem>>, %arg14: memref<!tpu.dma_semaphore, #tpu.memory_space<semaphore_mem>>) attributes {dimension_semantics = [#tpu.dimension_semantics<core_parallel>, #tpu.dimension_semantics<subcore_parallel>], iteration_bounds = array<i64: 2, 16>, scalar_prefetch = 0 : i64, scratch_operands = 8 : i64, tpu.core_type = #tpu.core_type<sc_vector_subcore>, window_params = [{transform_indices = #map}, {transform_indices = #map1}, {transform_indices = #map1}, {transform_indices = #map}, {transform_indices = #map1}]} {
    %mul3A = arith.constant 16 : i32
    %mul3A_0 = arith.muli %arg0, %mul3A : i32
    %add3A = arith.addi %mul3A_0, %arg1 : i32
    "tpu.region"() ({
      %run_scoped3A = tpu.sem_alloc : memref<!tpu.dma_semaphore, #tpu.memory_space<semaphore_mem>>
      %dma_start3A_32 = arith.constant 0 : i32
      %dma_start3A_33 = arith.constant 0 : i32
      %dma_start3A_34 = tpu.memref_slice %arg3[%add3A, %dma_start3A_32, %dma_start3A_33] : memref<32x80x128xi32, #tpu.memory_space<hbm>> -> memref<1x80x128xi32, #tpu.memory_space<hbm>>
      %dma_start3A_35 = tpu.memref_squeeze %dma_start3A_34 : memref<1x80x128xi32, #tpu.memory_space<hbm>> -> memref<80x128xi32, #tpu.memory_space<hbm>>
      %dma_start3A_36 = arith.constant 0 : i32
      %dma_start3A_37 = arith.constant 0 : i32
      %dma_start3A_38 = tpu.memref_slice %arg3[%add3A, %dma_start3A_36, %dma_start3A_37] : memref<32x80x128xi32, #tpu.memory_space<hbm>> -> memref<1x80x128xi32, #tpu.memory_space<hbm>>
      %dma_start3A_39 = tpu.memref_squeeze %dma_start3A_38 : memref<1x80x128xi32, #tpu.memory_space<hbm>> -> memref<80x128xi32, #tpu.memory_space<hbm>>
      tpu.enqueue_dma source(%dma_start3A_39 : memref<80x128xi32, #tpu.memory_space<hbm>>) target(%arg7 : memref<80x128xi32, #tpu.memory_space<vmem>>) target_semaphore(%run_scoped3A : memref<!tpu.dma_semaphore, #tpu.memory_space<semaphore_mem>>)
      %dma_wait3A_40 = arith.constant 0 : i32
      %dma_wait3A_41 = arith.constant 0 : i32
      %dma_wait3A_42 = tpu.memref_slice %arg3[%add3A, %dma_wait3A_40, %dma_wait3A_41] : memref<32x80x128xi32, #tpu.memory_space<hbm>> -> memref<1x80x128xi32, #tpu.memory_space<hbm>>
      %dma_wait3A_43 = tpu.memref_squeeze %dma_wait3A_42 : memref<1x80x128xi32, #tpu.memory_space<hbm>> -> memref<80x128xi32, #tpu.memory_space<hbm>>
      %dma_wait3A_44 = arith.constant 0 : i32
      %dma_wait3A_45 = arith.constant 0 : i32
      %dma_wait3A_46 = tpu.memref_slice %arg3[%add3A, %dma_wait3A_44, %dma_wait3A_45] : memref<32x80x128xi32, #tpu.memory_space<hbm>> -> memref<1x80x128xi32, #tpu.memory_space<hbm>>
      %dma_wait3A_47 = tpu.memref_squeeze %dma_wait3A_46 : memref<1x80x128xi32, #tpu.memory_space<hbm>> -> memref<80x128xi32, #tpu.memory_space<hbm>>
      tpu.wait_dma2 semaphore(%run_scoped3A : memref<!tpu.dma_semaphore, #tpu.memory_space<semaphore_mem>>) src(%dma_wait3A_47 : memref<80x128xi32, #tpu.memory_space<hbm>>) dst(%arg7 : memref<80x128xi32, #tpu.memory_space<vmem>>)
      tpu.yield
    }) : () -> ()
    "tpu.region"() ({
      %run_scoped3A = tpu.sem_alloc : memref<!tpu.dma_semaphore, #tpu.memory_space<semaphore_mem>>
      %dma_start3A_32 = arith.constant 0 : i32
      %dma_start3A_33 = arith.constant 0 : i32
      %dma_start3A_34 = tpu.memref_slice %arg4[%add3A, %dma_start3A_32, %dma_start3A_33] : memref<32x80x128xi32, #tpu.memory_space<hbm>> -> memref<1x80x128xi32, #tpu.memory_space<hbm>>
      %dma_start3A_35 = tpu.memref_squeeze %dma_start3A_34 : memref<1x80x128xi32, #tpu.memory_space<hbm>> -> memref<80x128xi32, #tpu.memory_space<hbm>>
      %dma_start3A_36 = arith.constant 0 : i32
      %dma_start3A_37 = arith.constant 0 : i32
      %dma_start3A_38 = tpu.memref_slice %arg4[%add3A, %dma_start3A_36, %dma_start3A_37] : memref<32x80x128xi32, #tpu.memory_space<hbm>> -> memref<1x80x128xi32, #tpu.memory_space<hbm>>
      %dma_start3A_39 = tpu.memref_squeeze %dma_start3A_38 : memref<1x80x128xi32, #tpu.memory_space<hbm>> -> memref<80x128xi32, #tpu.memory_space<hbm>>
      tpu.enqueue_dma source(%dma_start3A_39 : memref<80x128xi32, #tpu.memory_space<hbm>>) target(%arg8 : memref<80x128xi32, #tpu.memory_space<vmem>>) target_semaphore(%run_scoped3A : memref<!tpu.dma_semaphore, #tpu.memory_space<semaphore_mem>>)
      %dma_wait3A_40 = arith.constant 0 : i32
      %dma_wait3A_41 = arith.constant 0 : i32
      %dma_wait3A_42 = tpu.memref_slice %arg4[%add3A, %dma_wait3A_40, %dma_wait3A_41] : memref<32x80x128xi32, #tpu.memory_space<hbm>> -> memref<1x80x128xi32, #tpu.memory_space<hbm>>
      %dma_wait3A_43 = tpu.memref_squeeze %dma_wait3A_42 : memref<1x80x128xi32, #tpu.memory_space<hbm>> -> memref<80x128xi32, #tpu.memory_space<hbm>>
      %dma_wait3A_44 = arith.constant 0 : i32
      %dma_wait3A_45 = arith.constant 0 : i32
      %dma_wait3A_46 = tpu.memref_slice %arg4[%add3A, %dma_wait3A_44, %dma_wait3A_45] : memref<32x80x128xi32, #tpu.memory_space<hbm>> -> memref<1x80x128xi32, #tpu.memory_space<hbm>>
      %dma_wait3A_47 = tpu.memref_squeeze %dma_wait3A_46 : memref<1x80x128xi32, #tpu.memory_space<hbm>> -> memref<80x128xi32, #tpu.memory_space<hbm>>
      tpu.wait_dma2 semaphore(%run_scoped3A : memref<!tpu.dma_semaphore, #tpu.memory_space<semaphore_mem>>) src(%dma_wait3A_47 : memref<80x128xi32, #tpu.memory_space<hbm>>) dst(%arg8 : memref<80x128xi32, #tpu.memory_space<vmem>>)
      tpu.yield
    }) : () -> ()
    %mul3A_1 = arith.constant 625 : i32
    %mul3A_2 = arith.muli %arg1, %mul3A_1 : i32
    %mul3A_3 = arith.constant 625 : i32
    %mul3A_4 = arith.muli %arg1, %mul3A_3 : i32
    "tpu.region"() ({
      %run_scoped3A = tpu.sem_alloc : memref<!tpu.dma_semaphore, #tpu.memory_space<semaphore_mem>>
      %dma_start3A_32 = arith.constant 0 : i32
      %dma_start3A_33 = tpu.memref_slice %arg11[%mul3A_4, %dma_start3A_32] : memref<10000x64xf32, #tpu.memory_space<vmem_shared>> -> memref<625x64xf32, #tpu.memory_space<vmem_shared>>
      %dma_start3A_34 = arith.constant 0 : i32
      %dma_start3A_35 = tpu.memref_slice %arg2[%mul3A_2, %dma_start3A_34] : memref<10240x64xf32, #tpu.memory_space<hbm>> -> memref<625x64xf32, #tpu.memory_space<hbm>>
      tpu.enqueue_dma source(%dma_start3A_35 : memref<625x64xf32, #tpu.memory_space<hbm>>) target(%dma_start3A_33 : memref<625x64xf32, #tpu.memory_space<vmem_shared>>) target_semaphore(%run_scoped3A : memref<!tpu.dma_semaphore, #tpu.memory_space<semaphore_mem>>)
      %dma_wait3A_36 = arith.constant 0 : i32
      %dma_wait3A_37 = tpu.memref_slice %arg11[%mul3A_4, %dma_wait3A_36] : memref<10000x64xf32, #tpu.memory_space<vmem_shared>> -> memref<625x64xf32, #tpu.memory_space<vmem_shared>>
      %dma_wait3A_38 = arith.constant 0 : i32
      %dma_wait3A_39 = tpu.memref_slice %arg2[%mul3A_2, %dma_wait3A_38] : memref<10240x64xf32, #tpu.memory_space<hbm>> -> memref<625x64xf32, #tpu.memory_space<hbm>>
      tpu.wait_dma2 semaphore(%run_scoped3A : memref<!tpu.dma_semaphore, #tpu.memory_space<semaphore_mem>>) src(%dma_wait3A_39 : memref<625x64xf32, #tpu.memory_space<hbm>>) dst(%dma_wait3A_37 : memref<625x64xf32, #tpu.memory_space<vmem_shared>>)
      tpu.yield
    }) : () -> ()
    %mul3A_5 = arith.constant 640 : i32
    %mul3A_6 = arith.muli %arg1, %mul3A_5 : i32
    %mul3A_7 = arith.constant 640 : i32
    %mul3A_8 = arith.muli %arg1, %mul3A_7 : i32
    "tpu.region"() ({
      %run_scoped3A = tpu.sem_alloc : memref<!tpu.dma_semaphore, #tpu.memory_space<semaphore_mem>>
      %dma_start3A_32 = arith.constant 0 : i32
      %dma_start3A_33 = tpu.memref_slice %arg12[%mul3A_8, %dma_start3A_32] : memref<10240x64xf32, #tpu.memory_space<vmem_shared>> -> memref<640x64xf32, #tpu.memory_space<vmem_shared>>
      %dma_start3A_34 = arith.constant 0 : i32
      %dma_start3A_35 = tpu.memref_slice %arg5[%mul3A_6, %dma_start3A_34] : memref<10240x64xf32, #tpu.memory_space<hbm>> -> memref<640x64xf32, #tpu.memory_space<hbm>>
      tpu.enqueue_dma source(%dma_start3A_35 : memref<640x64xf32, #tpu.memory_space<hbm>>) target(%dma_start3A_33 : memref<640x64xf32, #tpu.memory_space<vmem_shared>>) target_semaphore(%run_scoped3A : memref<!tpu.dma_semaphore, #tpu.memory_space<semaphore_mem>>)
      %dma_wait3A_36 = arith.constant 0 : i32
      %dma_wait3A_37 = tpu.memref_slice %arg12[%mul3A_8, %dma_wait3A_36] : memref<10240x64xf32, #tpu.memory_space<vmem_shared>> -> memref<640x64xf32, #tpu.memory_space<vmem_shared>>
      %dma_wait3A_38 = arith.constant 0 : i32
      %dma_wait3A_39 = tpu.memref_slice %arg5[%mul3A_6, %dma_wait3A_38] : memref<10240x64xf32, #tpu.memory_space<hbm>> -> memref<640x64xf32, #tpu.memory_space<hbm>>
      tpu.wait_dma2 semaphore(%run_scoped3A : memref<!tpu.dma_semaphore, #tpu.memory_space<semaphore_mem>>) src(%dma_wait3A_39 : memref<640x64xf32, #tpu.memory_space<hbm>>) dst(%dma_wait3A_37 : memref<640x64xf32, #tpu.memory_space<vmem_shared>>)
      tpu.yield
    }) : () -> ()
    %barrier3A = arith.constant 0 : index
    tpu.barrier barrier_id(%barrier3A)
    %min3A = arith.constant 0 : i32
    %min3A_9 = arith.constant 79 : i32
    %min3A_10 = arith.minsi %min3A, %min3A_9 : i32
    %dma_start3A = arith.constant 0 : i32
    %dma_start3A_11 = tpu.memref_slice %arg7[%min3A_10, %dma_start3A] : memref<80x128xi32, #tpu.memory_space<vmem>> -> memref<1x128xi32, #tpu.memory_space<vmem>>
    %dma_start3A_12 = tpu.memref_squeeze %dma_start3A_11 : memref<1x128xi32, #tpu.memory_space<vmem>> -> memref<128xi32, #tpu.memory_space<vmem>>
    %dma_start3A_13 = arith.constant 0 : i32
    %dma_start3A_14 = arith.constant 0 : i32
    %dma_start3A_15 = tpu.memref_slice %arg11[%dma_start3A_13, %dma_start3A_14] : memref<10000x64xf32, #tpu.memory_space<vmem_shared>> -> memref<10000x64xf32, #tpu.memory_space<vmem_shared>>
    tpu.enqueue_indirect_dma source(%dma_start3A_15 : memref<10000x64xf32, #tpu.memory_space<vmem_shared>>) target(%arg9 : memref<128x64xf32, #tpu.memory_space<vmem>>) offsets(%dma_start3A_12 : memref<128xi32, #tpu.memory_space<vmem>>) semaphore(%arg13 : memref<!tpu.dma_semaphore, #tpu.memory_space<semaphore_mem>>)
    %scan3A = arith.constant 0 : i32
    %scan3A_16 = arith.constant 0 : i32
    %scan3A_17 = arith.constant 40 : i32
    %scan3A_18 = arith.addi %scan3A_16, %scan3A_17 : i32
    %scan3A_19 = arith.constant 1 : i32
    scf.for %scan3A_32 = %scan3A_16 to %scan3A_18 step %scan3A_19  : i32 {
      %mul3A_33 = arith.constant 2 : i32
      %mul3A_34 = arith.muli %scan3A_32, %mul3A_33 : i32
      %min3A_35 = arith.constant 79 : i32
      %min3A_36 = arith.minsi %mul3A_34, %min3A_35 : i32
      %dma_wait3A_37 = arith.constant 0 : i32
      %dma_wait3A_38 = tpu.memref_slice %arg7[%min3A_36, %dma_wait3A_37] : memref<80x128xi32, #tpu.memory_space<vmem>> -> memref<1x128xi32, #tpu.memory_space<vmem>>
      %dma_wait3A_39 = tpu.memref_squeeze %dma_wait3A_38 : memref<1x128xi32, #tpu.memory_space<vmem>> -> memref<128xi32, #tpu.memory_space<vmem>>
      %dma_wait3A_40 = arith.constant 0 : i32
      %dma_wait3A_41 = arith.constant 0 : i32
      %dma_wait3A_42 = tpu.memref_slice %arg11[%dma_wait3A_40, %dma_wait3A_41] : memref<10000x64xf32, #tpu.memory_space<vmem_shared>> -> memref<10000x64xf32, #tpu.memory_space<vmem_shared>>
      tpu.wait_indirect_dma semaphore(%arg13 : memref<!tpu.dma_semaphore, #tpu.memory_space<semaphore_mem>>) src(%dma_wait3A_42 : memref<10000x64xf32, #tpu.memory_space<vmem_shared>>) dst(%arg9 : memref<128x64xf32, #tpu.memory_space<vmem>>)
      %add3A_43 = arith.constant 1 : i32
      %add3A_44 = arith.addi %mul3A_34, %add3A_43 : i32
      %min3A_45 = arith.constant 79 : i32
      %min3A_46 = arith.minsi %add3A_44, %min3A_45 : i32
      %dma_start3A_47 = arith.constant 0 : i32
      %dma_start3A_48 = tpu.memref_slice %arg7[%min3A_46, %dma_start3A_47] : memref<80x128xi32, #tpu.memory_space<vmem>> -> memref<1x128xi32, #tpu.memory_space<vmem>>
      %dma_start3A_49 = tpu.memref_squeeze %dma_start3A_48 : memref<1x128xi32, #tpu.memory_space<vmem>> -> memref<128xi32, #tpu.memory_space<vmem>>
      %dma_start3A_50 = arith.constant 0 : i32
      %dma_start3A_51 = arith.constant 0 : i32
      %dma_start3A_52 = tpu.memref_slice %arg11[%dma_start3A_50, %dma_start3A_51] : memref<10000x64xf32, #tpu.memory_space<vmem_shared>> -> memref<10000x64xf32, #tpu.memory_space<vmem_shared>>
      tpu.enqueue_indirect_dma source(%dma_start3A_52 : memref<10000x64xf32, #tpu.memory_space<vmem_shared>>) target(%arg10 : memref<128x64xf32, #tpu.memory_space<vmem>>) offsets(%dma_start3A_49 : memref<128xi32, #tpu.memory_space<vmem>>) semaphore(%arg14 : memref<!tpu.dma_semaphore, #tpu.memory_space<semaphore_mem>>)
      "tpu.region"() ({
        %run_scoped3A = tpu.sem_alloc : memref<!tpu.dma_semaphore, #tpu.memory_space<semaphore_mem>>
        %dma_start3A_73 = arith.constant 0 : i32
        %dma_start3A_74 = tpu.memref_slice %arg8[%mul3A_34, %dma_start3A_73] : memref<80x128xi32, #tpu.memory_space<vmem>> -> memref<1x128xi32, #tpu.memory_space<vmem>>
        %dma_start3A_75 = tpu.memref_squeeze %dma_start3A_74 : memref<1x128xi32, #tpu.memory_space<vmem>> -> memref<128xi32, #tpu.memory_space<vmem>>
        %dma_start3A_76 = arith.constant 0 : i32
        %dma_start3A_77 = arith.constant 0 : i32
        %dma_start3A_78 = tpu.memref_slice %arg12[%dma_start3A_76, %dma_start3A_77] : memref<10240x64xf32, #tpu.memory_space<vmem_shared>> -> memref<10240x64xf32, #tpu.memory_space<vmem_shared>>
        tpu.enqueue_indirect_dma source(%arg9 : memref<128x64xf32, #tpu.memory_space<vmem>>) target(%dma_start3A_78 : memref<10240x64xf32, #tpu.memory_space<vmem_shared>>) offsets(%dma_start3A_75 : memref<128xi32, #tpu.memory_space<vmem>>) semaphore(%run_scoped3A : memref<!tpu.dma_semaphore, #tpu.memory_space<semaphore_mem>>) {add = true}
        %dma_wait3A_79 = arith.constant 0 : i32
        %dma_wait3A_80 = tpu.memref_slice %arg8[%mul3A_34, %dma_wait3A_79] : memref<80x128xi32, #tpu.memory_space<vmem>> -> memref<1x128xi32, #tpu.memory_space<vmem>>
        %dma_wait3A_81 = tpu.memref_squeeze %dma_wait3A_80 : memref<1x128xi32, #tpu.memory_space<vmem>> -> memref<128xi32, #tpu.memory_space<vmem>>
        %dma_wait3A_82 = arith.constant 0 : i32
        %dma_wait3A_83 = arith.constant 0 : i32
        %dma_wait3A_84 = tpu.memref_slice %arg12[%dma_wait3A_82, %dma_wait3A_83] : memref<10240x64xf32, #tpu.memory_space<vmem_shared>> -> memref<10240x64xf32, #tpu.memory_space<vmem_shared>>
        tpu.wait_indirect_dma semaphore(%run_scoped3A : memref<!tpu.dma_semaphore, #tpu.memory_space<semaphore_mem>>) src(%arg9 : memref<128x64xf32, #tpu.memory_space<vmem>>) dst(%dma_wait3A_84 : memref<10240x64xf32, #tpu.memory_space<vmem_shared>>)
        tpu.yield
      }) : () -> ()
      %add3A_53 = arith.constant 1 : i32
      %add3A_54 = arith.addi %mul3A_34, %add3A_53 : i32
      %min3A_55 = arith.constant 79 : i32
      %min3A_56 = arith.minsi %add3A_54, %min3A_55 : i32
      %dma_wait3A_57 = arith.constant 0 : i32
      %dma_wait3A_58 = tpu.memref_slice %arg7[%min3A_56, %dma_wait3A_57] : memref<80x128xi32, #tpu.memory_space<vmem>> -> memref<1x128xi32, #tpu.memory_space<vmem>>
      %dma_wait3A_59 = tpu.memref_squeeze %dma_wait3A_58 : memref<1x128xi32, #tpu.memory_space<vmem>> -> memref<128xi32, #tpu.memory_space<vmem>>
      %dma_wait3A_60 = arith.constant 0 : i32
      %dma_wait3A_61 = arith.constant 0 : i32
      %dma_wait3A_62 = tpu.memref_slice %arg11[%dma_wait3A_60, %dma_wait3A_61] : memref<10000x64xf32, #tpu.memory_space<vmem_shared>> -> memref<10000x64xf32, #tpu.memory_space<vmem_shared>>
      tpu.wait_indirect_dma semaphore(%arg14 : memref<!tpu.dma_semaphore, #tpu.memory_space<semaphore_mem>>) src(%dma_wait3A_62 : memref<10000x64xf32, #tpu.memory_space<vmem_shared>>) dst(%arg10 : memref<128x64xf32, #tpu.memory_space<vmem>>)
      %add3A_63 = arith.constant 1 : i32
      %add3A_64 = arith.addi %add3A_54, %add3A_63 : i32
      %min3A_65 = arith.constant 79 : i32
      %min3A_66 = arith.minsi %add3A_64, %min3A_65 : i32
      %dma_start3A_67 = arith.constant 0 : i32
      %dma_start3A_68 = tpu.memref_slice %arg7[%min3A_66, %dma_start3A_67] : memref<80x128xi32, #tpu.memory_space<vmem>> -> memref<1x128xi32, #tpu.memory_space<vmem>>
      %dma_start3A_69 = tpu.memref_squeeze %dma_start3A_68 : memref<1x128xi32, #tpu.memory_space<vmem>> -> memref<128xi32, #tpu.memory_space<vmem>>
      %dma_start3A_70 = arith.constant 0 : i32
      %dma_start3A_71 = arith.constant 0 : i32
      %dma_start3A_72 = tpu.memref_slice %arg11[%dma_start3A_70, %dma_start3A_71] : memref<10000x64xf32, #tpu.memory_space<vmem_shared>> -> memref<10000x64xf32, #tpu.memory_space<vmem_shared>>
      tpu.enqueue_indirect_dma source(%dma_start3A_72 : memref<10000x64xf32, #tpu.memory_space<vmem_shared>>) target(%arg9 : memref<128x64xf32, #tpu.memory_space<vmem>>) offsets(%dma_start3A_69 : memref<128xi32, #tpu.memory_space<vmem>>) semaphore(%arg13 : memref<!tpu.dma_semaphore, #tpu.memory_space<semaphore_mem>>)
      "tpu.region"() ({
        %run_scoped3A = tpu.sem_alloc : memref<!tpu.dma_semaphore, #tpu.memory_space<semaphore_mem>>
        %dma_start3A_73 = arith.constant 0 : i32
        %dma_start3A_74 = tpu.memref_slice %arg8[%add3A_54, %dma_start3A_73] : memref<80x128xi32, #tpu.memory_space<vmem>> -> memref<1x128xi32, #tpu.memory_space<vmem>>
        %dma_start3A_75 = tpu.memref_squeeze %dma_start3A_74 : memref<1x128xi32, #tpu.memory_space<vmem>> -> memref<128xi32, #tpu.memory_space<vmem>>
        %dma_start3A_76 = arith.constant 0 : i32
        %dma_start3A_77 = arith.constant 0 : i32
        %dma_start3A_78 = tpu.memref_slice %arg12[%dma_start3A_76, %dma_start3A_77] : memref<10240x64xf32, #tpu.memory_space<vmem_shared>> -> memref<10240x64xf32, #tpu.memory_space<vmem_shared>>
        tpu.enqueue_indirect_dma source(%arg10 : memref<128x64xf32, #tpu.memory_space<vmem>>) target(%dma_start3A_78 : memref<10240x64xf32, #tpu.memory_space<vmem_shared>>) offsets(%dma_start3A_75 : memref<128xi32, #tpu.memory_space<vmem>>) semaphore(%run_scoped3A : memref<!tpu.dma_semaphore, #tpu.memory_space<semaphore_mem>>) {add = true}
        %dma_wait3A_79 = arith.constant 0 : i32
        %dma_wait3A_80 = tpu.memref_slice %arg8[%add3A_54, %dma_wait3A_79] : memref<80x128xi32, #tpu.memory_space<vmem>> -> memref<1x128xi32, #tpu.memory_space<vmem>>
        %dma_wait3A_81 = tpu.memref_squeeze %dma_wait3A_80 : memref<1x128xi32, #tpu.memory_space<vmem>> -> memref<128xi32, #tpu.memory_space<vmem>>
        %dma_wait3A_82 = arith.constant 0 : i32
        %dma_wait3A_83 = arith.constant 0 : i32
        %dma_wait3A_84 = tpu.memref_slice %arg12[%dma_wait3A_82, %dma_wait3A_83] : memref<10240x64xf32, #tpu.memory_space<vmem_shared>> -> memref<10240x64xf32, #tpu.memory_space<vmem_shared>>
        tpu.wait_indirect_dma semaphore(%run_scoped3A : memref<!tpu.dma_semaphore, #tpu.memory_space<semaphore_mem>>) src(%arg10 : memref<128x64xf32, #tpu.memory_space<vmem>>) dst(%dma_wait3A_84 : memref<10240x64xf32, #tpu.memory_space<vmem_shared>>)
        tpu.yield
      }) : () -> ()
    }
    %scan3A_20 = arith.constant 40 : i32
    %dma_wait3A = arith.constant 79 : i32
    %dma_wait3A_21 = arith.constant 0 : i32
    %dma_wait3A_22 = tpu.memref_slice %arg7[%dma_wait3A, %dma_wait3A_21] : memref<80x128xi32, #tpu.memory_space<vmem>> -> memref<1x128xi32, #tpu.memory_space<vmem>>
    %dma_wait3A_23 = tpu.memref_squeeze %dma_wait3A_22 : memref<1x128xi32, #tpu.memory_space<vmem>> -> memref<128xi32, #tpu.memory_space<vmem>>
    %dma_wait3A_24 = arith.constant 0 : i32
    %dma_wait3A_25 = arith.constant 0 : i32
    %dma_wait3A_26 = tpu.memref_slice %arg11[%dma_wait3A_24, %dma_wait3A_25] : memref<10000x64xf32, #tpu.memory_space<vmem_shared>> -> memref<10000x64xf32, #tpu.memory_space<vmem_shared>>
    tpu.wait_indirect_dma semaphore(%arg13 : memref<!tpu.dma_semaphore, #tpu.memory_space<semaphore_mem>>) src(%dma_wait3A_26 : memref<10000x64xf32, #tpu.memory_space<vmem_shared>>) dst(%arg9 : memref<128x64xf32, #tpu.memory_space<vmem>>)
    %barrier3A_27 = arith.constant 0 : index
    tpu.barrier barrier_id(%barrier3A_27)
    %mul3A_28 = arith.constant 640 : i32
    %mul3A_29 = arith.muli %arg1, %mul3A_28 : i32
    %mul3A_30 = arith.constant 640 : i32
    %mul3A_31 = arith.muli %arg1, %mul3A_30 : i32
    "tpu.region"() ({
      %run_scoped3A = tpu.sem_alloc : memref<!tpu.dma_semaphore, #tpu.memory_space<semaphore_mem>>
      %dma_start3A_32 = arith.constant 0 : i32
      %dma_start3A_33 = tpu.memref_slice %arg6[%arg0, %mul3A_31, %dma_start3A_32] : memref<2x10240x64xf32, #tpu.memory_space<hbm>> -> memref<1x640x64xf32, #tpu.memory_space<hbm>>
      %dma_start3A_34 = tpu.memref_squeeze %dma_start3A_33 : memref<1x640x64xf32, #tpu.memory_space<hbm>> -> memref<640x64xf32, #tpu.memory_space<hbm>>
      %dma_start3A_35 = arith.constant 0 : i32
      %dma_start3A_36 = tpu.memref_slice %arg12[%mul3A_29, %dma_start3A_35] : memref<10240x64xf32, #tpu.memory_space<vmem_shared>> -> memref<640x64xf32, #tpu.memory_space<vmem_shared>>
      tpu.enqueue_dma source(%dma_start3A_36 : memref<640x64xf32, #tpu.memory_space<vmem_shared>>) target(%dma_start3A_34 : memref<640x64xf32, #tpu.memory_space<hbm>>) target_semaphore(%run_scoped3A : memref<!tpu.dma_semaphore, #tpu.memory_space<semaphore_mem>>)
      %dma_wait3A_37 = arith.constant 0 : i32
      %dma_wait3A_38 = tpu.memref_slice %arg6[%arg0, %mul3A_31, %dma_wait3A_37] : memref<2x10240x64xf32, #tpu.memory_space<hbm>> -> memref<1x640x64xf32, #tpu.memory_space<hbm>>
      %dma_wait3A_39 = tpu.memref_squeeze %dma_wait3A_38 : memref<1x640x64xf32, #tpu.memory_space<hbm>> -> memref<640x64xf32, #tpu.memory_space<hbm>>
      %dma_wait3A_40 = arith.constant 0 : i32
      %dma_wait3A_41 = tpu.memref_slice %arg12[%mul3A_29, %dma_wait3A_40] : memref<10240x64xf32, #tpu.memory_space<vmem_shared>> -> memref<640x64xf32, #tpu.memory_space<vmem_shared>>
      tpu.wait_dma2 semaphore(%run_scoped3A : memref<!tpu.dma_semaphore, #tpu.memory_space<semaphore_mem>>) src(%dma_wait3A_41 : memref<640x64xf32, #tpu.memory_space<vmem_shared>>) dst(%dma_wait3A_39 : memref<640x64xf32, #tpu.memory_space<hbm>>)
      tpu.yield
    }) : () -> ()
    return
  }
}

module attributes {stable_mosaic.version = 14 : i64} {
  func.func @body(%arg0: i32, %arg1: memref<1000x128xf32, #tpu.memory_space<vmem>>, %arg2: memref<128x64xf32, #tpu.memory_space<vmem>>, %arg3: memref<1000x72xf32, #tpu.memory_space<vmem>>) attributes {dimension_semantics = [#tpu.dimension_semantics<arbitrary>], iteration_bounds = array<i64: 10>, scalar_prefetch = 0 : i64, scratch_operands = 0 : i64, tpu.core_type = #tpu.core_type<tc>, window_params = [{transform_indices = @transform_0, window_bounds = array<i64: 1000, 128>}, {pipeline_mode = #tpu.pipeline_mode<synchronous>, transform_indices = @transform_1, window_bounds = array<i64: 128, 64>}, {transform_indices = @transform_2, window_bounds = array<i64: 1000, 72>}]} {
    %get3A = arith.constant 0 : index
    %get3A_0 = arith.constant 0 : index
    %get3A_1 = vector.load %arg1[%get3A, %get3A_0] : memref<1000x128xf32, #tpu.memory_space<vmem>>, vector<1000x128xf32>
    %get3A_2 = arith.constant 0 : index
    %get3A_3 = arith.constant 0 : index
    %get3A_4 = vector.load %arg2[%get3A_2, %get3A_3] : memref<128x64xf32, #tpu.memory_space<vmem>>, vector<128x64xf32>
    %dot_general3A = arith.constant dense<0.000000e+00> : vector<1000x64xf32>
    %dot_general3A_5 = tpu.matmul %get3A_1, %get3A_4, %dot_general3A {dimension_numbers = #tpu.dot_dimension_numbers<[1], [0], [0], [1], [0, 0, 1, 1], [], []>, transpose_lhs_hint = false} : vector<1000x128xf32>, vector<128x64xf32>, vector<1000x64xf32> -> vector<1000x64xf32>
    %broadcast_in_dim3A = arith.constant 1.000000e+00 : f32
    %broadcast_in_dim3A_6 = vector.broadcast %broadcast_in_dim3A : f32 to vector<1000x1xf32>
    %broadcast_in_dim3A_7 = arith.constant 0.000000e+00 : f32
    %broadcast_in_dim3A_8 = vector.broadcast %broadcast_in_dim3A_7 : f32 to vector<1000x7xf32>
    %concatenate3A = tpu.concatenate %broadcast_in_dim3A_6, %broadcast_in_dim3A_8 in 1 : vector<1000x1xf32>, vector<1000x7xf32> -> vector<1000x8xf32>
    %concatenate3A_9 = tpu.concatenate %dot_general3A_5, %concatenate3A in 1 : vector<1000x64xf32>, vector<1000x8xf32> -> vector<1000x72xf32>
    %swap3A = arith.constant 0 : index
    %swap3A_10 = arith.constant 0 : index
    %swap3A_11 = vector.load %arg3[%swap3A, %swap3A_10] : memref<1000x72xf32, #tpu.memory_space<vmem>>, vector<1000x72xf32>
    tpu.vector_store %arg3[%swap3A, %swap3A_10], %concatenate3A_9 {strides = array<i32>} : memref<1000x72xf32, #tpu.memory_space<vmem>>, vector<1000x72xf32>,
    return
  }
  func.func @transform_0(%arg0: i32) -> (i32, i32) {
    %c0_i32 = arith.constant 0 : i32
    %c0_i32_0 = arith.constant 0 : i32
    return %arg0, %c0_i32 : i32, i32
  }
  func.func @transform_1(%arg0: i32) -> (i32, i32) {
    %c0_i32 = arith.constant 0 : i32
    %c0_i32_0 = arith.constant 0 : i32
    %c0_i32_1 = arith.constant 0 : i32
    return %c0_i32, %c0_i32_0 : i32, i32
  }
  func.func @transform_2(%arg0: i32) -> (i32, i32) {
    %c0_i32 = arith.constant 0 : i32
    %c0_i32_0 = arith.constant 0 : i32
    return %arg0, %c0_i32 : i32, i32
  }
}

module attributes {stable_mosaic.version = 14 : i64} {
  func.func @body(%arg0: i32, %arg1: memref<1x1000x72xf32, #tpu.memory_space<vmem>>, %arg2: memref<1x1000x72xf32, #tpu.memory_space<vmem>>, %arg3: memref<1000x128xf32, #tpu.memory_space<vmem>>, %arg4: memref<128x64xf32, #tpu.memory_space<vmem>>, %arg5: memref<1x64xf32, #tpu.memory_space<vmem>>, %arg6: memref<64x64xf32, #tpu.memory_space<vmem>>, %arg7: memref<1000x64xf32, #tpu.memory_space<vmem>>, %arg8: memref<1000x64xf32, #tpu.memory_space<vmem>>, %arg9: memref<1000x1xf32, #tpu.memory_space<vmem>>) attributes {dimension_semantics = [#tpu.dimension_semantics<arbitrary>], iteration_bounds = array<i64: 10>, scalar_prefetch = 0 : i64, scratch_operands = 0 : i64, tpu.core_type = #tpu.core_type<tc>, window_params = [{transform_indices = @transform_0, window_bounds = array<i64: 1, 1000, 72>}, {transform_indices = @transform_1, window_bounds = array<i64: 1, 1000, 72>}, {transform_indices = @transform_2, window_bounds = array<i64: 1000, 128>}, {pipeline_mode = #tpu.pipeline_mode<synchronous>, transform_indices = @transform_3, window_bounds = array<i64: 128, 64>}, {pipeline_mode = #tpu.pipeline_mode<synchronous>, transform_indices = @transform_4, window_bounds = array<i64: 1, 64>}, {pipeline_mode = #tpu.pipeline_mode<synchronous>, transform_indices = @transform_5, window_bounds = array<i64: 64, 64>}, {transform_indices = @transform_6, window_bounds = array<i64: 1000, 64>}, {transform_indices = @transform_7, window_bounds = array<i64: 1000, 64>}, {transform_indices = @transform_8, window_bounds = array<i64: 1000, 1>}]} {
    %get3A = arith.constant 0 : index
    %get3A_0 = arith.constant 0 : index
    %get3A_1 = arith.constant 0 : index
    %get3A_2 = vector.load %arg1[%get3A, %get3A_0, %get3A_1] : memref<1x1000x72xf32, #tpu.memory_space<vmem>>, vector<1x1000x72xf32>
    %get3A_3 = vector.shape_cast %get3A_2 : vector<1x1000x72xf32> to vector<1000x72xf32>
    %get3A_4 = arith.constant 0 : index
    %get3A_5 = arith.constant 0 : index
    %get3A_6 = arith.constant 0 : index
    %get3A_7 = vector.load %arg2[%get3A_4, %get3A_5, %get3A_6] : memref<1x1000x72xf32, #tpu.memory_space<vmem>>, vector<1x1000x72xf32>
    %get3A_8 = vector.shape_cast %get3A_7 : vector<1x1000x72xf32> to vector<1000x72xf32>
    %add3A = arith.addf %get3A_3, %get3A_8 : vector<1000x72xf32>
    %slice3A = vector.extract_strided_slice %add3A {offsets = [0, 64], sizes = [1000, 1], strides = [1, 1]} : vector<1000x72xf32> to vector<1000x1xf32>
    %slice3A_9 = vector.extract_strided_slice %add3A {offsets = [0, 0], sizes = [1000, 64], strides = [1, 1]} : vector<1000x72xf32> to vector<1000x64xf32>
    %max3A = arith.constant 1.000000e+00 : f32
    %max3A_10 = vector.broadcast %max3A : f32 to vector<1000x1xf32>
    %max3A_11 = arith.maximumf %slice3A, %max3A_10 : vector<1000x1xf32>
    %div3A = arith.constant 1.000000e+00 : f32
    %div3A_12 = vector.broadcast %div3A : f32 to vector<1000x1xf32>
    %div3A_13 = arith.divf %div3A_12, %max3A_11 : vector<1000x1xf32>
    %mul3A = vector.broadcast %div3A_13 : vector<1000x1xf32> to vector<1000x64xf32>
    %mul3A_14 = arith.mulf %slice3A_9, %mul3A : vector<1000x64xf32>
    %get3A_15 = arith.constant 0 : index
    %get3A_16 = arith.constant 0 : index
    %get3A_17 = vector.load %arg3[%get3A_15, %get3A_16] : memref<1000x128xf32, #tpu.memory_space<vmem>>, vector<1000x128xf32>
    %get3A_18 = arith.constant 0 : index
    %get3A_19 = arith.constant 0 : index
    %get3A_20 = vector.load %arg4[%get3A_18, %get3A_19] : memref<128x64xf32, #tpu.memory_space<vmem>>, vector<128x64xf32>
    %dot_general3A = arith.constant dense<0.000000e+00> : vector<1000x64xf32>
    %dot_general3A_21 = tpu.matmul %get3A_17, %get3A_20, %dot_general3A {dimension_numbers = #tpu.dot_dimension_numbers<[1], [0], [0], [1], [0, 0, 1, 1], [], []>, transpose_lhs_hint = false} : vector<1000x128xf32>, vector<128x64xf32>, vector<1000x64xf32> -> vector<1000x64xf32>
    %add3A_22 = arith.addf %mul3A_14, %dot_general3A_21 : vector<1000x64xf32>
    %get3A_23 = arith.constant 0 : index
    %get3A_24 = arith.constant 0 : index
    %get3A_25 = vector.load %arg5[%get3A_23, %get3A_24] : memref<1x64xf32, #tpu.memory_space<vmem>>, vector<1x64xf32>
    %add3A_26 = vector.broadcast %get3A_25 : vector<1x64xf32> to vector<1000x64xf32>
    %add3A_27 = arith.addf %add3A_22, %add3A_26 : vector<1000x64xf32>
    %max3A_28 = arith.constant 0.000000e+00 : f32
    %max3A_29 = vector.broadcast %max3A_28 : f32 to vector<1000x64xf32>
    %max3A_30 = arith.maximumf %add3A_27, %max3A_29 : vector<1000x64xf32>
    %swap3A = arith.constant 0 : index
    %swap3A_31 = arith.constant 0 : index
    %swap3A_32 = vector.load %arg7[%swap3A, %swap3A_31] : memref<1000x64xf32, #tpu.memory_space<vmem>>, vector<1000x64xf32>
    tpu.vector_store %arg7[%swap3A, %swap3A_31], %max3A_30 {strides = array<i32>} : memref<1000x64xf32, #tpu.memory_space<vmem>>, vector<1000x64xf32>,
    %get3A_33 = arith.constant 0 : index
    %get3A_34 = arith.constant 0 : index
    %get3A_35 = vector.load %arg6[%get3A_33, %get3A_34] : memref<64x64xf32, #tpu.memory_space<vmem>>, vector<64x64xf32>
    %dot_general3A_36 = arith.constant dense<0.000000e+00> : vector<1000x64xf32>
    %dot_general3A_37 = tpu.matmul %max3A_30, %get3A_35, %dot_general3A_36 {dimension_numbers = #tpu.dot_dimension_numbers<[1], [0], [0], [1], [0, 0, 1, 1], [], []>, transpose_lhs_hint = false} : vector<1000x64xf32>, vector<64x64xf32>, vector<1000x64xf32> -> vector<1000x64xf32>
    %swap3A_38 = arith.constant 0 : index
    %swap3A_39 = arith.constant 0 : index
    %swap3A_40 = vector.load %arg8[%swap3A_38, %swap3A_39] : memref<1000x64xf32, #tpu.memory_space<vmem>>, vector<1000x64xf32>
    tpu.vector_store %arg8[%swap3A_38, %swap3A_39], %dot_general3A_37 {strides = array<i32>} : memref<1000x64xf32, #tpu.memory_space<vmem>>, vector<1000x64xf32>,
    %swap3A_41 = arith.constant 0 : index
    %swap3A_42 = arith.constant 0 : index
    %swap3A_43 = vector.load %arg9[%swap3A_41, %swap3A_42] : memref<1000x1xf32, #tpu.memory_space<vmem>>, vector<1000x1xf32>
    tpu.vector_store %arg9[%swap3A_41, %swap3A_42], %div3A_13 {strides = array<i32>} : memref<1000x1xf32, #tpu.memory_space<vmem>>, vector<1000x1xf32>,
    return
  }
  func.func @transform_0(%arg0: i32) -> (i32, i32, i32) {
    %c0_i32 = arith.constant 0 : i32
    %c0_i32_0 = arith.constant 0 : i32
    %c0_i32_1 = arith.constant 0 : i32
    return %c0_i32, %arg0, %c0_i32_0 : i32, i32, i32
  }
  func.func @transform_1(%arg0: i32) -> (i32, i32, i32) {
    %c1_i32 = arith.constant 1 : i32
    %c0_i32 = arith.constant 0 : i32
    %c0_i32_0 = arith.constant 0 : i32
    return %c1_i32, %arg0, %c0_i32 : i32, i32, i32
  }
  func.func @transform_2(%arg0: i32) -> (i32, i32) {
    %c0_i32 = arith.constant 0 : i32
    %c0_i32_0 = arith.constant 0 : i32
    return %arg0, %c0_i32 : i32, i32
  }
  func.func @transform_3(%arg0: i32) -> (i32, i32) {
    %c0_i32 = arith.constant 0 : i32
    %c0_i32_0 = arith.constant 0 : i32
    %c0_i32_1 = arith.constant 0 : i32
    return %c0_i32, %c0_i32_0 : i32, i32
  }
  func.func @transform_4(%arg0: i32) -> (i32, i32) {
    %c0_i32 = arith.constant 0 : i32
    %c0_i32_0 = arith.constant 0 : i32
    %c0_i32_1 = arith.constant 0 : i32
    return %c0_i32, %c0_i32_0 : i32, i32
  }
  func.func @transform_5(%arg0: i32) -> (i32, i32) {
    %c0_i32 = arith.constant 0 : i32
    %c0_i32_0 = arith.constant 0 : i32
    %c0_i32_1 = arith.constant 0 : i32
    return %c0_i32, %c0_i32_0 : i32, i32
  }
  func.func @transform_6(%arg0: i32) -> (i32, i32) {
    %c0_i32 = arith.constant 0 : i32
    %c0_i32_0 = arith.constant 0 : i32
    return %arg0, %c0_i32 : i32, i32
  }
  func.func @transform_7(%arg0: i32) -> (i32, i32) {
    %c0_i32 = arith.constant 0 : i32
    %c0_i32_0 = arith.constant 0 : i32
    return %arg0, %c0_i32 : i32, i32
  }
  func.func @transform_8(%arg0: i32) -> (i32, i32) {
    %c0_i32 = arith.constant 0 : i32
    %c0_i32_0 = arith.constant 0 : i32
    return %arg0, %c0_i32 : i32, i32
  }
}

module attributes {stable_mosaic.version = 14 : i64} {
  func.func @body(%arg0: i32, %arg1: memref<1x1000x64xf32, #tpu.memory_space<vmem>>, %arg2: memref<1x1000x64xf32, #tpu.memory_space<vmem>>, %arg3: memref<1000x1xf32, #tpu.memory_space<vmem>>, %arg4: memref<1000x64xf32, #tpu.memory_space<vmem>>, %arg5: memref<64x64xf32, #tpu.memory_space<vmem>>, %arg6: memref<1x64xf32, #tpu.memory_space<vmem>>, %arg7: memref<64x8xf32, #tpu.memory_space<vmem>>, %arg8: memref<1000x64xf32, #tpu.memory_space<vmem>>, %arg9: memref<1000x8xf32, #tpu.memory_space<vmem>>) attributes {dimension_semantics = [#tpu.dimension_semantics<arbitrary>], iteration_bounds = array<i64: 10>, scalar_prefetch = 0 : i64, scratch_operands = 0 : i64, tpu.core_type = #tpu.core_type<tc>, window_params = [{transform_indices = @transform_0, window_bounds = array<i64: 1, 1000, 64>}, {transform_indices = @transform_1, window_bounds = array<i64: 1, 1000, 64>}, {transform_indices = @transform_2, window_bounds = array<i64: 1000, 1>}, {transform_indices = @transform_3, window_bounds = array<i64: 1000, 64>}, {pipeline_mode = #tpu.pipeline_mode<synchronous>, transform_indices = @transform_4, window_bounds = array<i64: 64, 64>}, {pipeline_mode = #tpu.pipeline_mode<synchronous>, transform_indices = @transform_5, window_bounds = array<i64: 1, 64>}, {pipeline_mode = #tpu.pipeline_mode<synchronous>, transform_indices = @transform_6, window_bounds = array<i64: 64, 8>}, {transform_indices = @transform_7, window_bounds = array<i64: 1000, 64>}, {transform_indices = @transform_8, window_bounds = array<i64: 1000, 8>}]} {
    %get3A = arith.constant 0 : index
    %get3A_0 = arith.constant 0 : index
    %get3A_1 = arith.constant 0 : index
    %get3A_2 = vector.load %arg1[%get3A, %get3A_0, %get3A_1] : memref<1x1000x64xf32, #tpu.memory_space<vmem>>, vector<1x1000x64xf32>
    %get3A_3 = vector.shape_cast %get3A_2 : vector<1x1000x64xf32> to vector<1000x64xf32>
    %get3A_4 = arith.constant 0 : index
    %get3A_5 = arith.constant 0 : index
    %get3A_6 = arith.constant 0 : index
    %get3A_7 = vector.load %arg2[%get3A_4, %get3A_5, %get3A_6] : memref<1x1000x64xf32, #tpu.memory_space<vmem>>, vector<1x1000x64xf32>
    %get3A_8 = vector.shape_cast %get3A_7 : vector<1x1000x64xf32> to vector<1000x64xf32>
    %add3A = arith.addf %get3A_3, %get3A_8 : vector<1000x64xf32>
    %get3A_9 = arith.constant 0 : index
    %get3A_10 = arith.constant 0 : index
    %get3A_11 = vector.load %arg3[%get3A_9, %get3A_10] : memref<1000x1xf32, #tpu.memory_space<vmem>>, vector<1000x1xf32>
    %mul3A = vector.broadcast %get3A_11 : vector<1000x1xf32> to vector<1000x64xf32>
    %mul3A_12 = arith.mulf %add3A, %mul3A : vector<1000x64xf32>
    %get3A_13 = arith.constant 0 : index
    %get3A_14 = arith.constant 0 : index
    %get3A_15 = vector.load %arg4[%get3A_13, %get3A_14] : memref<1000x64xf32, #tpu.memory_space<vmem>>, vector<1000x64xf32>
    %get3A_16 = arith.constant 0 : index
    %get3A_17 = arith.constant 0 : index
    %get3A_18 = vector.load %arg5[%get3A_16, %get3A_17] : memref<64x64xf32, #tpu.memory_space<vmem>>, vector<64x64xf32>
    %dot_general3A = arith.constant dense<0.000000e+00> : vector<1000x64xf32>
    %dot_general3A_19 = tpu.matmul %get3A_15, %get3A_18, %dot_general3A {dimension_numbers = #tpu.dot_dimension_numbers<[1], [0], [0], [1], [0, 0, 1, 1], [], []>, transpose_lhs_hint = false} : vector<1000x64xf32>, vector<64x64xf32>, vector<1000x64xf32> -> vector<1000x64xf32>
    %add3A_20 = arith.addf %mul3A_12, %dot_general3A_19 : vector<1000x64xf32>
    %get3A_21 = arith.constant 0 : index
    %get3A_22 = arith.constant 0 : index
    %get3A_23 = vector.load %arg6[%get3A_21, %get3A_22] : memref<1x64xf32, #tpu.memory_space<vmem>>, vector<1x64xf32>
    %add3A_24 = vector.broadcast %get3A_23 : vector<1x64xf32> to vector<1000x64xf32>
    %add3A_25 = arith.addf %add3A_20, %add3A_24 : vector<1000x64xf32>
    %max3A = arith.constant 0.000000e+00 : f32
    %max3A_26 = vector.broadcast %max3A : f32 to vector<1000x64xf32>
    %max3A_27 = arith.maximumf %add3A_25, %max3A_26 : vector<1000x64xf32>
    %swap3A = arith.constant 0 : index
    %swap3A_28 = arith.constant 0 : index
    %swap3A_29 = vector.load %arg8[%swap3A, %swap3A_28] : memref<1000x64xf32, #tpu.memory_space<vmem>>, vector<1000x64xf32>
    tpu.vector_store %arg8[%swap3A, %swap3A_28], %max3A_27 {strides = array<i32>} : memref<1000x64xf32, #tpu.memory_space<vmem>>, vector<1000x64xf32>,
    %get3A_30 = arith.constant 0 : index
    %get3A_31 = arith.constant 0 : index
    %get3A_32 = vector.load %arg7[%get3A_30, %get3A_31] : memref<64x8xf32, #tpu.memory_space<vmem>>, vector<64x8xf32>
    %dot_general3A_33 = arith.constant dense<0.000000e+00> : vector<1000x8xf32>
    %dot_general3A_34 = tpu.matmul %max3A_27, %get3A_32, %dot_general3A_33 {dimension_numbers = #tpu.dot_dimension_numbers<[1], [0], [0], [1], [0, 0, 1, 1], [], []>, transpose_lhs_hint = false} : vector<1000x64xf32>, vector<64x8xf32>, vector<1000x8xf32> -> vector<1000x8xf32>
    %swap3A_35 = arith.constant 0 : index
    %swap3A_36 = arith.constant 0 : index
    %swap3A_37 = vector.load %arg9[%swap3A_35, %swap3A_36] : memref<1000x8xf32, #tpu.memory_space<vmem>>, vector<1000x8xf32>
    tpu.vector_store %arg9[%swap3A_35, %swap3A_36], %dot_general3A_34 {strides = array<i32>} : memref<1000x8xf32, #tpu.memory_space<vmem>>, vector<1000x8xf32>,
    return
  }
  func.func @transform_0(%arg0: i32) -> (i32, i32, i32) {
    %c0_i32 = arith.constant 0 : i32
    %c0_i32_0 = arith.constant 0 : i32
    %c0_i32_1 = arith.constant 0 : i32
    return %c0_i32, %arg0, %c0_i32_0 : i32, i32, i32
  }
  func.func @transform_1(%arg0: i32) -> (i32, i32, i32) {
    %c1_i32 = arith.constant 1 : i32
    %c0_i32 = arith.constant 0 : i32
    %c0_i32_0 = arith.constant 0 : i32
    return %c1_i32, %arg0, %c0_i32 : i32, i32, i32
  }
  func.func @transform_2(%arg0: i32) -> (i32, i32) {
    %c0_i32 = arith.constant 0 : i32
    %c0_i32_0 = arith.constant 0 : i32
    return %arg0, %c0_i32 : i32, i32
  }
  func.func @transform_3(%arg0: i32) -> (i32, i32) {
    %c0_i32 = arith.constant 0 : i32
    %c0_i32_0 = arith.constant 0 : i32
    return %arg0, %c0_i32 : i32, i32
  }
  func.func @transform_4(%arg0: i32) -> (i32, i32) {
    %c0_i32 = arith.constant 0 : i32
    %c0_i32_0 = arith.constant 0 : i32
    %c0_i32_1 = arith.constant 0 : i32
    return %c0_i32, %c0_i32_0 : i32, i32
  }
  func.func @transform_5(%arg0: i32) -> (i32, i32) {
    %c0_i32 = arith.constant 0 : i32
    %c0_i32_0 = arith.constant 0 : i32
    %c0_i32_1 = arith.constant 0 : i32
    return %c0_i32, %c0_i32_0 : i32, i32
  }
  func.func @transform_6(%arg0: i32) -> (i32, i32) {
    %c0_i32 = arith.constant 0 : i32
    %c0_i32_0 = arith.constant 0 : i32
    %c0_i32_1 = arith.constant 0 : i32
    return %c0_i32, %c0_i32_0 : i32, i32
  }
  func.func @transform_7(%arg0: i32) -> (i32, i32) {
    %c0_i32 = arith.constant 0 : i32
    %c0_i32_0 = arith.constant 0 : i32
    return %arg0, %c0_i32 : i32, i32
  }
  func.func @transform_8(%arg0: i32) -> (i32, i32) {
    %c0_i32 = arith.constant 0 : i32
    %c0_i32_0 = arith.constant 0 : i32
    return %arg0, %c0_i32 : i32, i32
  }
}

module attributes {stable_mosaic.version = 14 : i64} {
  func.func @body(%arg0: i32, %arg1: memref<1x1000x8xf32, #tpu.memory_space<vmem>>, %arg2: memref<1x1000x8xf32, #tpu.memory_space<vmem>>, %arg3: memref<1000x1xf32, #tpu.memory_space<vmem>>, %arg4: memref<1000x64xf32, #tpu.memory_space<vmem>>, %arg5: memref<64x8xf32, #tpu.memory_space<vmem>>, %arg6: memref<1x8xf32, #tpu.memory_space<vmem>>, %arg7: memref<1000x1xf32, #tpu.memory_space<vmem>>) attributes {dimension_semantics = [#tpu.dimension_semantics<arbitrary>], iteration_bounds = array<i64: 10>, scalar_prefetch = 0 : i64, scratch_operands = 0 : i64, tpu.core_type = #tpu.core_type<tc>, window_params = [{transform_indices = @transform_0, window_bounds = array<i64: 1, 1000, 8>}, {transform_indices = @transform_1, window_bounds = array<i64: 1, 1000, 8>}, {transform_indices = @transform_2, window_bounds = array<i64: 1000, 1>}, {transform_indices = @transform_3, window_bounds = array<i64: 1000, 64>}, {pipeline_mode = #tpu.pipeline_mode<synchronous>, transform_indices = @transform_4, window_bounds = array<i64: 64, 8>}, {pipeline_mode = #tpu.pipeline_mode<synchronous>, transform_indices = @transform_5, window_bounds = array<i64: 1, 8>}, {transform_indices = @transform_6, window_bounds = array<i64: 1000, 1>}]} {
    %get3A = arith.constant 0 : index
    %get3A_0 = arith.constant 0 : index
    %get3A_1 = arith.constant 0 : index
    %get3A_2 = vector.load %arg1[%get3A, %get3A_0, %get3A_1] : memref<1x1000x8xf32, #tpu.memory_space<vmem>>, vector<1x1000x8xf32>
    %get3A_3 = vector.shape_cast %get3A_2 : vector<1x1000x8xf32> to vector<1000x8xf32>
    %get3A_4 = arith.constant 0 : index
    %get3A_5 = arith.constant 0 : index
    %get3A_6 = arith.constant 0 : index
    %get3A_7 = vector.load %arg2[%get3A_4, %get3A_5, %get3A_6] : memref<1x1000x8xf32, #tpu.memory_space<vmem>>, vector<1x1000x8xf32>
    %get3A_8 = vector.shape_cast %get3A_7 : vector<1x1000x8xf32> to vector<1000x8xf32>
    %add3A = arith.addf %get3A_3, %get3A_8 : vector<1000x8xf32>
    %get3A_9 = arith.constant 0 : index
    %get3A_10 = arith.constant 0 : index
    %get3A_11 = vector.load %arg3[%get3A_9, %get3A_10] : memref<1000x1xf32, #tpu.memory_space<vmem>>, vector<1000x1xf32>
    %mul3A = vector.broadcast %get3A_11 : vector<1000x1xf32> to vector<1000x8xf32>
    %mul3A_12 = arith.mulf %add3A, %mul3A : vector<1000x8xf32>
    %get3A_13 = arith.constant 0 : index
    %get3A_14 = arith.constant 0 : index
    %get3A_15 = vector.load %arg4[%get3A_13, %get3A_14] : memref<1000x64xf32, #tpu.memory_space<vmem>>, vector<1000x64xf32>
    %get3A_16 = arith.constant 0 : index
    %get3A_17 = arith.constant 0 : index
    %get3A_18 = vector.load %arg5[%get3A_16, %get3A_17] : memref<64x8xf32, #tpu.memory_space<vmem>>, vector<64x8xf32>
    %dot_general3A = arith.constant dense<0.000000e+00> : vector<1000x8xf32>
    %dot_general3A_19 = tpu.matmul %get3A_15, %get3A_18, %dot_general3A {dimension_numbers = #tpu.dot_dimension_numbers<[1], [0], [0], [1], [0, 0, 1, 1], [], []>, transpose_lhs_hint = false} : vector<1000x64xf32>, vector<64x8xf32>, vector<1000x8xf32> -> vector<1000x8xf32>
    %add3A_20 = arith.addf %mul3A_12, %dot_general3A_19 : vector<1000x8xf32>
    %get3A_21 = arith.constant 0 : index
    %get3A_22 = arith.constant 0 : index
    %get3A_23 = vector.load %arg6[%get3A_21, %get3A_22] : memref<1x8xf32, #tpu.memory_space<vmem>>, vector<1x8xf32>
    %add3A_24 = vector.broadcast %get3A_23 : vector<1x8xf32> to vector<1000x8xf32>
    %add3A_25 = arith.addf %add3A_20, %add3A_24 : vector<1000x8xf32>
    %neg3A = arith.constant 0.000000e+00 : f32
    %neg3A_26 = vector.broadcast %neg3A : f32 to vector<1000x8xf32>
    %neg3A_27 = arith.subf %neg3A_26, %add3A_25 : vector<1000x8xf32>
    %exp3A = math.exp %neg3A_27 : vector<1000x8xf32>
    %add3A_28 = arith.constant 1.000000e+00 : f32
    %add3A_29 = vector.broadcast %add3A_28 : f32 to vector<1000x8xf32>
    %add3A_30 = arith.addf %add3A_29, %exp3A : vector<1000x8xf32>
    %div3A = arith.constant 1.000000e+00 : f32
    %div3A_31 = vector.broadcast %div3A : f32 to vector<1000x8xf32>
    %div3A_32 = arith.divf %div3A_31, %add3A_30 : vector<1000x8xf32>
    %slice3A = vector.extract_strided_slice %div3A_32 {offsets = [0, 0], sizes = [1000, 1], strides = [1, 1]} : vector<1000x8xf32> to vector<1000x1xf32>
    %swap3A = arith.constant 0 : index
    %swap3A_33 = arith.constant 0 : index
    %swap3A_34 = vector.load %arg7[%swap3A, %swap3A_33] : memref<1000x1xf32, #tpu.memory_space<vmem>>, vector<1000x1xf32>
    tpu.vector_store %arg7[%swap3A, %swap3A_33], %slice3A {strides = array<i32>} : memref<1000x1xf32, #tpu.memory_space<vmem>>, vector<1000x1xf32>,
    return
  }
  func.func @transform_0(%arg0: i32) -> (i32, i32, i32) {
    %c0_i32 = arith.constant 0 : i32
    %c0_i32_0 = arith.constant 0 : i32
    %c0_i32_1 = arith.constant 0 : i32
    return %c0_i32, %arg0, %c0_i32_0 : i32, i32, i32
  }
  func.func @transform_1(%arg0: i32) -> (i32, i32, i32) {
    %c1_i32 = arith.constant 1 : i32
    %c0_i32 = arith.constant 0 : i32
    %c0_i32_0 = arith.constant 0 : i32
    return %c1_i32, %arg0, %c0_i32 : i32, i32, i32
  }
  func.func @transform_2(%arg0: i32) -> (i32, i32) {
    %c0_i32 = arith.constant 0 : i32
    %c0_i32_0 = arith.constant 0 : i32
    return %arg0, %c0_i32 : i32, i32
  }
  func.func @transform_3(%arg0: i32) -> (i32, i32) {
    %c0_i32 = arith.constant 0 : i32
    %c0_i32_0 = arith.constant 0 : i32
    return %arg0, %c0_i32 : i32, i32
  }
  func.func @transform_4(%arg0: i32) -> (i32, i32) {
    %c0_i32 = arith.constant 0 : i32
    %c0_i32_0 = arith.constant 0 : i32
    %c0_i32_1 = arith.constant 0 : i32
    return %c0_i32, %c0_i32_0 : i32, i32
  }
  func.func @transform_5(%arg0: i32) -> (i32, i32) {
    %c0_i32 = arith.constant 0 : i32
    %c0_i32_0 = arith.constant 0 : i32
    %c0_i32_1 = arith.constant 0 : i32
    return %c0_i32, %c0_i32_0 : i32, i32
  }
  func.func @transform_6(%arg0: i32) -> (i32, i32) {
    %c0_i32 = arith.constant 0 : i32
    %c0_i32_0 = arith.constant 0 : i32
    return %arg0, %c0_i32 : i32, i32
  }
}

</mosaic_0001>

<sc_bundles>
// kernel: kernel.12.cloned.1.call-start
scs
__scs_entry_jumppad:
0x0: {  	(pc) =	sbr.rel $0x88, $3  }
0x1: {  	(tag) =	ssettag $0x0;
	lr =	simm.s32 $0x1  }
0x2: {  	[smem:$0x3F96] =	sst lr;
	_ =	strace $0xD0000000  }
0x3: {  	_ = 	snop  }
0x4: {  	_ = 	snop  }
0x5: {  	_ = 	snop  }
0x6: {  	_ = 	snop  }
0x7: {  	_ = 	snop  }
__scs_overlays_trampoline_lowered:
0x8: {  	[smem:$0x3FA5] =	sst s0  }
0x9: {  	[smem:$0x3FA6] =	sst s1  }
0xa: {  	[smem:$0x3FA7] =	sst s2  }
0xb: {  	[smem:$0x3FA8] =	sst s3  }
0xc: {  	[smem:$0x3FA9] =	sst s4  }
0xd: {  	[smem:$0x3FAA] =	sst s5  }
0xe: {  	[smem:$0x3FAB] =	sst s6  }
0xf: {  	[smem:$0x3FAC] =	sst s7  }
0x10: {  	[smem:$0x3FAD] =	sst s8  }
0x11: {  	[smem:$0x3FAE] =	sst s9;
	s0 =	simm.s32 @!p0 $0x0  }
0x12: {  	s1 =	sld [smem:$0x3F94];
	s0 =	simm.s32 @p0 $0x1  }
0x13: {  	[smem:$0x3FAF] =	sst s0;
	s0 =	simm.s32 @!p1 $0x0  }
0x14: {  	s2 =	sld [smem:$0x3F93];
	s0 =	simm.s32 @p1 $0x1  }
0x15: {  	[smem:$0x3FB0] =	sst s0;
	s0 =	simm.s32 @!p2 $0x0  }
0x16: {  	s3 =	sld [smem:$0x3FDB];
	s0 =	simm.s32 @p2 $0x1  }
0x17: {  	s4 =	simm.s32 $0x1BF5;
	[smem:$0x3FB2] =	sst s0  }
0x18: {  	s0 =	sld [smem:$0x3F95];
	_ =	swait.ge [sflag:s4], $0x0  }
0x19: {  	s7 =	sld [smem:$0x3F96]  }
0x1a: {  	s8 =	sadd.s32 $0xFFFFE003, lr  }
0x1b: {  	s9 =	sadd.s32 $0xFFFFFEF7, lr;
	s5 =	simm.s32 $0xFFFFFFFF;
	p2 =	slt.u32 s8, $0xFFFFF086  }
0x1c: {  	p1 =	slt.u32 s9, $0xF7A;
	s5 =	simm.s32 @!p2 $0x0  }
0x1d: {  	s5 =	simm.s32 @p1 $0x1;
	p0 =	seq.s32 s7, s2  }
0x1e: {  	s7 =	smul.u32 @!p0 $0xF7A, s2;
	p2 =	seq.s32 @!p0 s5, $0x0  }
0x1f: {  	s9 =	smul.u32 $0xF7A, s1;
	s8 =	simm.s32 @!p0 $0x1BF5;
	p2 =	por !p2, p0  }
0x20: {  	[sflag:s8] =	ssyncset.s32 @!p0 $0xFFFFF086;
	s6 =	sadd.s32 @!p0 s3, s7;
	s7 =	simm.s32 @!p0 $0x108  }
0x21: {  	s3 =	sadd.s32 s3, s9;
	s6 =	sadd.s32 @!p0 $0x88, s6;
	s7 =	simm.s32 @p2 $0x1082  }
0x22: {  	[simem:s7], [sflag:s8] =	dma.local @!p0 [hbm:s6], $0xF7A  }
0x23: {  	s9 =	sor.u32 $0xD0000000, s2;
	s6 =	simm.s32 $0x108;
	_ =	swait.ge @!p0 [sflag:s8], $0x0  }
0x24: {  	s3 =	sadd.s32 $0x88, s3;
	s6 =	simm.s32 @!p1 $0x1082;
	[sflag:s4] =	ssyncset.s32 $0xFFFFF086  }
0x25: {  	[simem:s6], [sflag:s4] =	dma.local [hbm:s3], $0xF7A  }
0x26: {  	[smem:$0x3F96] =	sst s1;
	(tag) =	ssettag s2;
	_ =	strace s9  }
0x27: {  	s1 =	sld [smem:$0x3FA6]  }
0x28: {  	s2 =	sld [smem:$0x3FA7]  }
0x29: {  	s4 =	sld [smem:$0x3FA9]  }
0x2a: {  	p0 =	seq.s32 s5, $0x0;
	s5 =	sld [smem:$0x3FAA]  }
0x2b: {  	s6 =	sld [smem:$0x3FAB]  }
0x2c: {  	s7 =	sld [smem:$0x3FAC]  }
0x2d: {  	s3 =	simm.s32 $0x108;
	s8 =	sld [smem:$0x3FAD]  }
0x2e: {  	s3 =	simm.s32 @!p0 $0x1082;
	s9 =	sld [smem:$0x3FAE]  }
0x2f: {  	lr =	sadd.s32 s0, s3;
	s0 =	sld [smem:$0x3FA5]  }
0x30: {  	s3 =	sld [smem:$0x3FA8]  }
0x31: {  	[smem:$0x3FB1] =	sst s10  }
0x32: {  	s10 =	sld [smem:$0x3FAF];
	_ =	sdelay $0x3  }
0x33: {  	p0 =	seq.s32 s10, $0x1;
	s10 =	sld [smem:$0x3FB1];
	_ =	sdelay $0x3  }
0x34: {  	[smem:$0x3FB1] =	sst s10  }
0x35: {  	s10 =	sld [smem:$0x3FB0];
	_ =	sdelay $0x3  }
0x36: {  	p1 =	seq.s32 s10, $0x1;
	s10 =	sld [smem:$0x3FB1];
	_ =	sdelay $0x3  }
0x37: {  	[smem:$0x3FB1] =	sst s10  }
0x38: {  	s10 =	sld [smem:$0x3FB2]  }
0x39: {  	_ = 	snop;
	(pc) =	sbr.ind lr, $3  }
0x3a: {  	_ = 	snop  }
0x3b: {  	_ = 	snop  }
0x3c: {  	p2 =	seq.s32 s10, $0x1;
	s10 =	sld [smem:$0x3FB1]  }
0x3d: {  	_ =	shalt  }
0x3e: {  	_ =	shalt  }
0x3f: {  	_ =	shalt  }
0x40: {  	_ =	shalt  }
0x41: {  	_ =	shalt  }
0x42: {  	_ =	shalt  }
0x43: {  	_ =	shalt  }
0x44: {  	_ =	shalt  }
0x45: {  	_ =	shalt  }
0x46: {  	_ =	shalt  }
0x47: {  	_ =	shalt  }
0x48: {  	_ =	shalt  }
0x49: {  	_ =	shalt  }
0x4a: {  	_ =	shalt  }
0x4b: {  	_ =	shalt  }
0x4c: {  	_ =	shalt  }
0x4d: {  	_ =	shalt  }
0x4e: {  	_ =	shalt  }
0x4f: {  	_ =	shalt  }
0x50: {  	_ =	shalt  }
0x51: {  	_ =	shalt  }
0x52: {  	_ =	shalt  }
0x53: {  	_ =	shalt  }
0x54: {  	_ =	shalt  }
0x55: {  	_ =	shalt  }
0x56: {  	_ =	shalt  }
0x57: {  	_ =	shalt  }
0x58: {  	_ =	shalt  }
0x59: {  	_ =	shalt  }
0x5a: {  	_ =	shalt  }
0x5b: {  	_ =	shalt  }
0x5c: {  	_ =	shalt  }
0x5d: {  	_ =	shalt  }
0x5e: {  	_ =	shalt  }
0x5f: {  	_ =	shalt  }
0x60: {  	_ =	shalt  }
0x61: {  	_ =	shalt  }
0x62: {  	_ =	shalt  }
0x63: {  	_ =	shalt  }
0x64: {  	_ =	shalt  }
0x65: {  	_ =	shalt  }
0x66: {  	_ =	shalt  }
0x67: {  	_ =	shalt  }
0x68: {  	_ =	shalt  }
0x69: {  	_ =	shalt  }
0x6a: {  	_ =	shalt  }
0x6b: {  	_ =	shalt  }
0x6c: {  	_ =	shalt  }
0x6d: {  	_ =	shalt  }
0x6e: {  	_ =	shalt  }
0x6f: {  	_ =	shalt  }
0x70: {  	_ =	shalt  }
0x71: {  	_ =	shalt  }
0x72: {  	_ =	shalt  }
0x73: {  	_ =	shalt  }
0x74: {  	_ =	shalt  }
0x75: {  	_ =	shalt  }
0x76: {  	_ =	shalt  }
0x77: {  	_ =	shalt  }
0x78: {  	_ =	shalt  }
0x79: {  	_ =	shalt  }
0x7a: {  	_ =	shalt  }
0x7b: {  	_ =	shalt  }
0x7c: {  	_ =	shalt  }
0x7d: {  	_ =	shalt  }
0x7e: {  	_ =	shalt  }
0x7f: {  	_ =	shalt  }
0x80: {  	_ =	shalt  }
0x81: {  	_ =	shalt  }
0x82: {  	_ =	shalt  }
0x83: {  	_ =	shalt  }
0x84: {  	_ =	shalt  }
0x85: {  	_ =	shalt  }
0x86: {  	_ =	shalt  }
0x87: {  	_ =	shalt  }
.Lfunc_end0:
.L_simem_size_0:
called_computation.1_lowered:
.L_overlay_start_0:
0x88: {  	s2 =	sld [smem:$0x3FD9]  }
0x89: {  	s3 =	sld [smem:$0x3FFE];
	_ =	sdelay $0x1  }
0x8a: {  	s1 =	srdreg.scid  }
0x8b: {  	s0 =	sand.u32 $0x1, s1  }
0x8c: {  	s16 =	sshll.u32 s0, $0xA;
	s2 =	sadd.s32 s3, s2  }
0x8d: {  	s2 =	sadd.s32 s2, s16  }
0x8e: {  	[smem:$0x3FBD] =	sst s2  }
0x8f: {  	_ = 	snop  }
0x90: {  	(tm) =	ssettm $0x1  }
0x91: {  	s17 =	sld [smem:$0x3FFB];
	_ =	sdelay $0x3  }
0x92: {  	_ =	strace s17  }
0x93: {  	s2 =	sld [smem:$0x3FFC];
	_ =	sdelay $0x3  }
0x94: {  	_ =	strace s2  }
0x95: {  	s2 =	sld [smem:$0x3FFD];
	_ =	sdelay $0x3  }
0x96: {  	_ =	strace s2  }
0x97: {  	_ =	strace $0x8FFFFFFF  }
0x98: {  	s18 =	sld [smem:$0x3FDB];
	_ =	sdelay $0x1  }
0x99: {  	s19 =	simm.s32 $_scs_section_size  }
0x9a: {  	s4 =	simm.s32 $_size__tile_overlayer_lowered;
	s5 =	simm.s32 $_tile_overlayer_lowered  }
0x9b: {  	s22 =	simm.s32 $0x1BFF;
	s21 =	sshll.u32 s5, $0x1;
	s2 =	sadd.s32 s19, s18  }
0x9c: {  	s6 =	simm.s32 $0x0;
	s20 =	sshll.u32 s4, $0x1;
	s4 =	sadd.s32 s21, s2  }
0x9d: {  	[timem:s6], [sflag:s22] =	dma.local [hbm:s4], s20  }
0x9e: {  	_ =	swait.ge [sflag:s22], s20  }
0x9f: {  	s3 =	ssub.s32 $0x0, s20;
	[sflag:s22] =	ssyncset.done $0x0  }
0xa0: {  	[sflag:s22] =	ssyncadd.s32 s3;
	_ =	sdelay $0x1  }
0xa1: {  	s23 =	simm.s32 $0x1B8B  }
0xa2: {  	_ =	swait.ge [sflag:s23], $0x1  }
0xa3: {  	[sflag:s23] =	ssyncset.done $0x0  }
0xa4: {  	s25 =	simm.s32 $0x1B8E;
	s24 =	sld [smem:$0x3FFE];
	[sflag:s23] =	ssyncadd.s32 $0xFFFFFFFF  }
0xa5: {  	s26 =	simm.s32 $execute0_lowered;
	[smem:$0x3FD2] =	sst s25  }
0xa6: {  	s4 =	sshll.u32 s26, $0x1;
	_ =	strace $0x80000049;
	[dreg:$0x1] =	wrdreg $0xFFFFFFFF  }
0xa7: {  	s28 =	simm.s32 $_size_execute0_lowered;
	s2 =	sadd.s32 s2, s4;
	[dreg:$0x0] =	wrdreg $0x0  }
0xa8: {  	s4 =	sshll.u32 s28, $0x1;
	[dreg:$0x2] =	wrdreg s2  }
0xa9: {  	[dreg:$0x3] =	wrdreg s4  }
0xaa: {  	[dreg:$0x4] =	wrdreg $0xC0  }
0xab: {  	_ =	task [dreg:s6], $0x5FFFF  }
0xac: {  	[dreg:$0x1] =	wrdreg $0xFFFFFFFF  }
0xad: {  	[dreg:$0x0] =	wrdreg $0x60  }
0xae: {  	[dreg:$0x2] =	wrdreg s24  }
0xaf: {  	[dreg:$0x3] =	wrdreg $0x90000  }
0xb0: {  	[dreg:$0x4] =	wrdreg $0x12C400  }
0xb1: {  	[dreg:$0x5] =	wrdreg $0x9  }
0xb2: {  	_ =	task.clear_ibuf [dreg:s6], $0x6FFFF;
	_ =	strace $0x90000049  }
0xb3: {  	s29 =	simm.s32 $0x9;
	_ =	strace $0x8000004B  }
0xb4: {  	_ =	swait.ge [sflag:s29], $0x1  }
0xb5: {  	[sflag:s29] =	ssyncadd.s32 $0xFFFFFFFF  }
0xb6: {  	_ =	strace $0x9000004B  }
0xb7: {  	_ =	sfence  }
0xb8: {  	s30 =	sld [smem:$0x0];
	_ =	sdelay $0x2  }
0xb9: {  	s31 =	sshll.u32 s1, $0xD;
	s1 =	sshrl.u32 s1, $0x2  }
0xba: {  	s3 =	sand.u32 $0x4000, s31;
	s1 =	sadd.s32 s1, s30  }
0xbb: {  	s0 =	sor.u32 s3, s0;
	s1 =	sshll.u32 s1, $0x11  }
0xbc: {  	s0 =	sor.u32 s1, s0  }
0xbd: {  	s0 =	sadd.s32 $0x8F2B, s0  }
0xbe: {  	[sflag:s0] =	ssyncadd.remote.s32 $0x1  }
0xbf: {  	_ =	sfence.sel $0xFFFF  }
0xc0: {  	[dreg:$0x0] =	wrdreg $0xFFFFFFFF;
	(pc) =	sbr.abs _section_cstart, $3  }
0xc1: {  	[dreg:$0x1] =	wrdreg $0xFFFFFFFF  }
0xc2: {  	_ =	task.clear_ibuf [dreg:s6], $0x2FFFF;
	_ =	strace $0x9FFFFFFF  }
0xc3: {  	(tm) =	ssettm $0x7FFFFFFF  }
tec
execute0_lowered:
.L_overlay_start_1:
0x0: {  	(tag) =	ssettag $0x1  }
0x1: {  	s6 =	rddreg [dreg:$0x0]  }
0x2: {  	s2 =	rddreg [dreg:$0x1]  }
0x3: {  	s0 =	srdreg.scid;
	s3 =	rddreg [dreg:$0x2];
	s4 =	simm.s32 $0x0  }
0x4: {  	s16 =	simm.s32 $0x80;
	s17 =	simm.s32 $0x5000;
	s18 =	simm.s32 $0x1  }
0x5: {  	s19 =	simm.s32 $0x7000;
	s20 =	simm.s32 $0x2;
	s21 =	simm.s32 $0x2780  }
0x6: {  	s22 =	simm.s32 $0x4F00;
	s5 =	sand.u32 $0x1, s0;
	s0 =	stileid.u32  }
0x7: {  	s23 =	simm.s32 $0x4F80;
	s24 =	simm.s32 $0x0;
	s7 =	smul.u32 $0x9C40, s0  }
0x8: {  	[smem:$0x7FF] =	sst s4;
	s1 =	sshll.u32 s5, $0x4;
	s9 =	smul.u32 $0xA000, s0  }
0x9: {  	s10 =	smul.u32 $0xA0000, s5;
	s5 =	ssub.s32 $0x2, s5;
	s1 =	sor.u32 s0, s1  }
0xa: {  	s31 =	sshll.u32 s0, $0x6;
	s30 =	sshrl.u32 s5, $0x1;
	s8 =	smul.u32 $0x500, s1  }
0xb: {  	s1 =	rddreg [dreg:$0x3];
	_ =	strace $0x8000004A;
	s11 =	sshrl.u32 s7, $0x3  }
0xc: {  	s10 =	sadd.s32 s9, s10;
	s12 =	sshrl.u32 s9, $0x3;
	s13 =	ssub.s32 s5, s30  }
0xd: {  	s14 =	sadd.s32 s7, s2;
	s15 =	sadd.s32 s9, s3;
	s11 =	sadd.s32 s11, s6  }
0xe: {  	s10 =	sshrl.u32 s10, $0x3;
	s12 =	sadd.s32 s12, s6;
	s14 =	sshrl.u32 s14, $0x3  }
0xf: {  	s15 =	sshrl.u32 s15, $0x3;
	s8 =	sadd.s32 s8, s6;
	s10 =	sadd.s32 s10, s6  }
0x10: {  	s7 =	sadd.s32 $0x1A00, s11;
	s11 =	simm.s32 $0x3;
	s5 =	sadd.s32 $0x22200, s8  }
0x11: {  	s6 =	sadd.s32 $0x18200, s8;
	s8 =	sadd.s32 $0x2C200, s12;
	s9 =	sadd.s32 $0x40200, s10  }
0x12: {  	s10 =	smax.u32 s13, $0x1;
	s12 =	simm.s32 $0x2800;
	s13 =	sor.u32 $0x1C03, s31  }
.LBB2_1:
0x13: {  	[tilespmem:s4], [sflag:$0x3] =	stream.linear.gather [hbm4b:s5+s4], $0x2800, $0x38;
	[tilespmem:$0x1CC40] =	vst v63  }
0x14: {  	_ =	swait.ge [sflag:s11], $0x2800  }
0x15: {  	[sflag:s11] =	ssyncset.done $0x0  }
0x16: {  	[sflag:s11] =	ssyncadd.s32 $0xFFFFD800  }
0x17: {  	[tilespmem:s12], [sflag:$0x3] =	stream.linear.gather [hbm4b:s6+s4], $0x2800, $0x38;
	[tilespmem:$0x1CC40] =	vst v63  }
0x18: {  	_ =	swait.ge [sflag:s11], $0x2800  }
0x19: {  	[sflag:s11] =	ssyncset.done $0x0  }
0x1a: {  	[sflag:s11] =	ssyncadd.s32 $0xFFFFD800  }
0x1b: {  	[spmem:s14], [sflag:s13] =	dma.local [hbm:s7], $0x1388  }
0x1c: {  	_ =	swait.ge [sflag:s11], $0x1388  }
0x1d: {  	[sflag:s11] =	ssyncset.done $0x0  }
0x1e: {  	[sflag:s11] =	ssyncadd.s32 $0xFFFFEC78  }
0x1f: {  	[spmem:s15], [sflag:s13] =	dma.local [hbm:s8], $0x1400  }
0x20: {  	_ =	swait.ge [sflag:s11], $0x1400  }
0x21: {  	[sflag:s11] =	ssyncset.done $0x0  }
0x22: {  	[sflag:s11] =	ssyncadd.s32 $0xFFFFEC00  }
0x23: {  	[bflag:$0x0] =	sbarrier.arrive $0xFFFF  }
0x24: {  	[tilespmem:s17], [sflag:$0x1] =	stream.indirect.gather [spmem:s2], $0x40, s4, s16, $0xb8;
	[tilespmem:$0x1CC40] =	vst v63  }
0x25: {  	_ =	swait.ge [sflag:s18], $0x2000  }
0x26: {  	[sflag:s18] =	ssyncset.done $0x0  }
0x27: {  	s25 =	simm.s32 $0x80;
	[sflag:s18] =	ssyncadd.s32 $0xFFFFE000  }
0x28: {  	[tilespmem:s19], [sflag:$0x2] =	stream.indirect.gather [spmem:s2], $0x40, s25, s16, $0xb8;
	[tilespmem:$0x1CC40] =	vst v63  }
0x29: {  	s29 =	simm.s32 $0x2800  }
0x2a: {  	[spmem:s3] =	stream.indirect.scatter.add.f32 [tilespmem:s17], [sflag:$0x3], $0x40, s29, s16, $0xb8;
	[tilespmem:$0x1CC40] =	vst v63  }
0x2b: {  	_ =	swait.ge [sflag:s11], $0x2000  }
0x2c: {  	[sflag:s11] =	ssyncset.done $0x0  }
0x2d: {  	[sflag:s11] =	ssyncadd.s32 $0xFFFFE000  }
0x2e: {  	_ =	swait.ge [sflag:s20], $0x2000  }
0x2f: {  	[sflag:s20] =	ssyncset.done $0x0  }
0x30: {  	s30 =	simm.s32 $0x100;
	[sflag:s20] =	ssyncadd.s32 $0xFFFFE000  }
0x31: {  	[tilespmem:s17], [sflag:$0x1] =	stream.indirect.gather [spmem:s2], $0x40, s30, s16, $0xb8;
	[tilespmem:$0x1CC40] =	vst v63  }
0x32: {  	s31 =	simm.s32 $0x2880  }
0x33: {  	[spmem:s3] =	stream.indirect.scatter.add.f32 [tilespmem:s19], [sflag:$0x3], $0x40, s31, s16, $0xb8;
	[tilespmem:$0x1CC40] =	vst v63  }
0x34: {  	_ =	swait.ge [sflag:s11], $0x2000  }
0x35: {  	s25 =	simm.s32 $0x400;
	[sflag:s11] =	ssyncset.done $0x0  }
.LBB2_2:
0x36: {  	p0 =	sne.s32 s25, $0x9800  }
0x37: {  	[sflag:s11] =	ssyncadd.s32 $0xFFFFE000;
	s26 =	smov.u32 s25;
	s25 =	sadd.s32 $0x400, s25  }
0x38: {  	_ = 	snop  }
0x39: {  	_ =	swait.ge [sflag:s18], $0x2000  }
0x3a: {  	s26 =	sshra.s32 s26, $0x2;
	[sflag:s18] =	ssyncset.done $0x0  }
0x3b: {  	s28 =	sadd.s32 $0x80, s26;
	[sflag:s18] =	ssyncadd.s32 $0xFFFFE000  }
0x3c: {  	[tilespmem:s19], [sflag:$0x2] =	stream.indirect.gather [spmem:s2], $0x40, s28, s16, $0xb8;
	[tilespmem:$0x1CC40] =	vst v63  }
0x3d: {  	s28 =	sadd.s32 $0x2800, s26  }
0x3e: {  	[spmem:s3] =	stream.indirect.scatter.add.f32 [tilespmem:s17], [sflag:$0x3], $0x40, s28, s16, $0xb8;
	[tilespmem:$0x1CC40] =	vst v63  }
0x3f: {  	_ =	swait.ge [sflag:s11], $0x2000  }
0x40: {  	[sflag:s11] =	ssyncset.done $0x0  }
0x41: {  	[sflag:s11] =	ssyncadd.s32 $0xFFFFE000  }
0x42: {  	_ =	swait.ge [sflag:s20], $0x2000  }
0x43: {  	[sflag:s20] =	ssyncset.done $0x0  }
0x44: {  	s28 =	sadd.s32 $0x100, s26;
	[sflag:s20] =	ssyncadd.s32 $0xFFFFE000  }
0x45: {  	[tilespmem:s17], [sflag:$0x1] =	stream.indirect.gather [spmem:s2], $0x40, s28, s16, $0xb8;
	[tilespmem:$0x1CC40] =	vst v63  }
.Ltmp0:
0x46: {  	_ = 	snop;
	(pc) =	sbr.rel @p0 .LBB2_2-.Ltmp0, $4  }
0x47: {  	s26 =	sadd.s32 $0x2880, s26  }
0x48: {  	[spmem:s3] =	stream.indirect.scatter.add.f32 [tilespmem:s19], [sflag:$0x3], $0x40, s26, s16, $0xb8;
	[tilespmem:$0x1CC40] =	vst v63  }
0x49: {  	_ =	swait.ge [sflag:s11], $0x2000  }
0x4a: {  	[sflag:s11] =	ssyncset.done $0x0  }
0x4b: {  	[sflag:s11] =	ssyncadd.s32 $0xFFFFE000  }
0x4c: {  	_ =	swait.ge [sflag:s18], $0x2000  }
0x4d: {  	[sflag:s18] =	ssyncset.done $0x0  }
0x4e: {  	[sflag:s18] =	ssyncadd.s32 $0xFFFFE000  }
0x4f: {  	[tilespmem:s19], [sflag:$0x2] =	stream.indirect.gather [spmem:s2], $0x40, s21, s16, $0xb8;
	[tilespmem:$0x1CC40] =	vst v63  }
0x50: {  	_ = 	snop  }
0x51: {  	[spmem:s3] =	stream.indirect.scatter.add.f32 [tilespmem:s17], [sflag:$0x3], $0x40, s22, s16, $0xb8;
	[tilespmem:$0x1CC40] =	vst v63  }
0x52: {  	_ =	swait.ge [sflag:s11], $0x2000  }
0x53: {  	[sflag:s11] =	ssyncset.done $0x0  }
0x54: {  	[sflag:s11] =	ssyncadd.s32 $0xFFFFE000  }
0x55: {  	_ =	swait.ge [sflag:s20], $0x2000  }
0x56: {  	[sflag:s20] =	ssyncset.done $0x0  }
0x57: {  	[sflag:s20] =	ssyncadd.s32 $0xFFFFE000  }
0x58: {  	[tilespmem:s17], [sflag:$0x1] =	stream.indirect.gather [spmem:s2], $0x40, s21, s16, $0xb8;
	[tilespmem:$0x1CC40] =	vst v63  }
0x59: {  	_ = 	snop  }
0x5a: {  	[spmem:s3] =	stream.indirect.scatter.add.f32 [tilespmem:s19], [sflag:$0x3], $0x40, s23, s16, $0xb8;
	[tilespmem:$0x1CC40] =	vst v63  }
0x5b: {  	_ =	swait.ge [sflag:s11], $0x2000  }
0x5c: {  	[sflag:s11] =	ssyncset.done $0x0  }
0x5d: {  	[sflag:s11] =	ssyncadd.s32 $0xFFFFE000  }
0x5e: {  	_ =	swait.ge [sflag:s18], $0x2000  }
0x5f: {  	s24 =	sadd.s32 $0x1, s24;
	[sflag:s18] =	ssyncset.done $0x0  }
0x60: {  	p0 =	sne.s32 s24, s10;
	[sflag:s18] =	ssyncadd.s32 $0xFFFFE000  }
.Ltmp1:
0x61: {  	[bflag:$0x0] =	sbarrier.arrive $0xFFFF;
	(pc) =	sbr.rel @p0 .LBB2_1-.Ltmp1, $4  }
0x62: {  	[hbm:s9], [sflag:s13] =	dma.local [spmem:s15], $0x1400  }
0x63: {  	_ =	swait.ge [sflag:s11], $0x1400  }
0x64: {  	[sflag:s11] =	ssyncset.done $0x0  }
0x65: {  	[sflag:s11] =	ssyncadd.s32 $0xFFFFEC00  }
0x66: {  	_ =	sfence.sel $0x180000  }
0x67: {  	[bflag:$0x0] =	sbarrier.arrive $0xFFFF  }
0x68: {  	p0 =	sne.s32 s0, $0x0;
	_ =	strace $0x9000004A  }
0x69: {  	s0 =	sadd.s32 @!p0 $0x100000, s1;
	[bflag:$0x2] =	sbarrier.arrive $0xFFFF  }
0x6a: {  	[sflag:s0] =	ssyncadd.tile.s32 @!p0 $0x1;
	_ =	shalt  }
.Lfunc_end2:
_tile_overlayer_lowered:
.L_overlay_start_2:
0x6b: {  	(tag) =	ssettag $0x2  }
0x6c: {  	s0 =	rddreg [dreg:$0x0];
	s2 =	stileid.u32  }
0x6d: {  	s1 =	rddreg [dreg:$0x1];
	p0 =	sne.s32 s2, $0x0  }
0x6e: {  	s3 =	rddreg [dreg:$0x2];
	[bflag:$0x3] =	sbarrier.arrive $0xFFFF;
	s2 =	simm.s32 @!p0 $0x1C03  }
0x6f: {  	[timem:s3], [sflag:s2] =	dma.local @!p0 [hbm:s0], s1  }
0x70: {  	s0 =	simm.s32 @!p0 $0x3  }
0x71: {  	_ =	swait.ge @!p0 [sflag:s0], s1  }
0x72: {  	s1 =	ssub.s32 @!p0 $0x0, s1;
	[sflag:s0] =	ssyncset.done @!p0 $0x0  }
0x73: {  	[sflag:s0] =	ssyncadd.s32 @!p0 s1  }
0x74: {  	[bflag:$0x3] =	sbarrier.arrive $0xFFFF  }
0x75: {  	_ =	shalt  }

// kernel: kernel.15.cloned.1.call-start
scs
__scs_entry_jumppad:
0x0: {  	(pc) =	sbr.rel $0x88, $3  }
0x1: {  	(tag) =	ssettag $0x0;
	lr =	simm.s32 $0x1  }
0x2: {  	[smem:$0x3F96] =	sst lr;
	_ =	strace $0xD0000000  }
0x3: {  	_ = 	snop  }
0x4: {  	_ = 	snop  }
0x5: {  	_ = 	snop  }
0x6: {  	_ = 	snop  }
0x7: {  	_ = 	snop  }
__scs_overlays_trampoline_lowered:
0x8: {  	[smem:$0x3FA5] =	sst s0  }
0x9: {  	[smem:$0x3FA6] =	sst s1  }
0xa: {  	[smem:$0x3FA7] =	sst s2  }
0xb: {  	[smem:$0x3FA8] =	sst s3  }
0xc: {  	[smem:$0x3FA9] =	sst s4  }
0xd: {  	[smem:$0x3FAA] =	sst s5  }
0xe: {  	[smem:$0x3FAB] =	sst s6  }
0xf: {  	[smem:$0x3FAC] =	sst s7  }
0x10: {  	[smem:$0x3FAD] =	sst s8  }
0x11: {  	[smem:$0x3FAE] =	sst s9;
	s0 =	simm.s32 @!p0 $0x0  }
0x12: {  	s1 =	sld [smem:$0x3F94];
	s0 =	simm.s32 @p0 $0x1  }
0x13: {  	[smem:$0x3FAF] =	sst s0;
	s0 =	simm.s32 @!p1 $0x0  }
0x14: {  	s2 =	sld [smem:$0x3F93];
	s0 =	simm.s32 @p1 $0x1  }
0x15: {  	[smem:$0x3FB0] =	sst s0;
	s0 =	simm.s32 @!p2 $0x0  }
0x16: {  	s3 =	sld [smem:$0x3FDB];
	s0 =	simm.s32 @p2 $0x1  }
0x17: {  	s4 =	simm.s32 $0x1BF5;
	[smem:$0x3FB2] =	sst s0  }
0x18: {  	s0 =	sld [smem:$0x3F95];
	_ =	swait.ge [sflag:s4], $0x0  }
0x19: {  	s7 =	sld [smem:$0x3F96]  }
0x1a: {  	s8 =	sadd.s32 $0xFFFFE003, lr  }
0x1b: {  	s9 =	sadd.s32 $0xFFFFFEF7, lr;
	s5 =	simm.s32 $0xFFFFFFFF;
	p2 =	slt.u32 s8, $0xFFFFF086  }
0x1c: {  	p1 =	slt.u32 s9, $0xF7A;
	s5 =	simm.s32 @!p2 $0x0  }
0x1d: {  	s5 =	simm.s32 @p1 $0x1;
	p0 =	seq.s32 s7, s2  }
0x1e: {  	s7 =	smul.u32 @!p0 $0xF7A, s2;
	p2 =	seq.s32 @!p0 s5, $0x0  }
0x1f: {  	s9 =	smul.u32 $0xF7A, s1;
	s8 =	simm.s32 @!p0 $0x1BF5;
	p2 =	por !p2, p0  }
0x20: {  	[sflag:s8] =	ssyncset.s32 @!p0 $0xFFFFF086;
	s6 =	sadd.s32 @!p0 s3, s7;
	s7 =	simm.s32 @!p0 $0x108  }
0x21: {  	s3 =	sadd.s32 s3, s9;
	s6 =	sadd.s32 @!p0 $0x88, s6;
	s7 =	simm.s32 @p2 $0x1082  }
0x22: {  	[simem:s7], [sflag:s8] =	dma.local @!p0 [hbm:s6], $0xF7A  }
0x23: {  	s9 =	sor.u32 $0xD0000000, s2;
	s6 =	simm.s32 $0x108;
	_ =	swait.ge @!p0 [sflag:s8], $0x0  }
0x24: {  	s3 =	sadd.s32 $0x88, s3;
	s6 =	simm.s32 @!p1 $0x1082;
	[sflag:s4] =	ssyncset.s32 $0xFFFFF086  }
0x25: {  	[simem:s6], [sflag:s4] =	dma.local [hbm:s3], $0xF7A  }
0x26: {  	[smem:$0x3F96] =	sst s1;
	(tag) =	ssettag s2;
	_ =	strace s9  }
0x27: {  	s1 =	sld [smem:$0x3FA6]  }
0x28: {  	s2 =	sld [smem:$0x3FA7]  }
0x29: {  	s4 =	sld [smem:$0x3FA9]  }
0x2a: {  	p0 =	seq.s32 s5, $0x0;
	s5 =	sld [smem:$0x3FAA]  }
0x2b: {  	s6 =	sld [smem:$0x3FAB]  }
0x2c: {  	s7 =	sld [smem:$0x3FAC]  }
0x2d: {  	s3 =	simm.s32 $0x108;
	s8 =	sld [smem:$0x3FAD]  }
0x2e: {  	s3 =	simm.s32 @!p0 $0x1082;
	s9 =	sld [smem:$0x3FAE]  }
0x2f: {  	lr =	sadd.s32 s0, s3;
	s0 =	sld [smem:$0x3FA5]  }
0x30: {  	s3 =	sld [smem:$0x3FA8]  }
0x31: {  	[smem:$0x3FB1] =	sst s10  }
0x32: {  	s10 =	sld [smem:$0x3FAF];
	_ =	sdelay $0x3  }
0x33: {  	p0 =	seq.s32 s10, $0x1;
	s10 =	sld [smem:$0x3FB1];
	_ =	sdelay $0x3  }
0x34: {  	[smem:$0x3FB1] =	sst s10  }
0x35: {  	s10 =	sld [smem:$0x3FB0];
	_ =	sdelay $0x3  }
0x36: {  	p1 =	seq.s32 s10, $0x1;
	s10 =	sld [smem:$0x3FB1];
	_ =	sdelay $0x3  }
0x37: {  	[smem:$0x3FB1] =	sst s10  }
0x38: {  	s10 =	sld [smem:$0x3FB2]  }
0x39: {  	_ = 	snop;
	(pc) =	sbr.ind lr, $3  }
0x3a: {  	_ = 	snop  }
0x3b: {  	_ = 	snop  }
0x3c: {  	p2 =	seq.s32 s10, $0x1;
	s10 =	sld [smem:$0x3FB1]  }
0x3d: {  	_ =	shalt  }
0x3e: {  	_ =	shalt  }
0x3f: {  	_ =	shalt  }
0x40: {  	_ =	shalt  }
0x41: {  	_ =	shalt  }
0x42: {  	_ =	shalt  }
0x43: {  	_ =	shalt  }
0x44: {  	_ =	shalt  }
0x45: {  	_ =	shalt  }
0x46: {  	_ =	shalt  }
0x47: {  	_ =	shalt  }
0x48: {  	_ =	shalt  }
0x49: {  	_ =	shalt  }
0x4a: {  	_ =	shalt  }
0x4b: {  	_ =	shalt  }
0x4c: {  	_ =	shalt  }
0x4d: {  	_ =	shalt  }
0x4e: {  	_ =	shalt  }
0x4f: {  	_ =	shalt  }
0x50: {  	_ =	shalt  }
0x51: {  	_ =	shalt  }
0x52: {  	_ =	shalt  }
0x53: {  	_ =	shalt  }
0x54: {  	_ =	shalt  }
0x55: {  	_ =	shalt  }
0x56: {  	_ =	shalt  }
0x57: {  	_ =	shalt  }
0x58: {  	_ =	shalt  }
0x59: {  	_ =	shalt  }
0x5a: {  	_ =	shalt  }
0x5b: {  	_ =	shalt  }
0x5c: {  	_ =	shalt  }
0x5d: {  	_ =	shalt  }
0x5e: {  	_ =	shalt  }
0x5f: {  	_ =	shalt  }
0x60: {  	_ =	shalt  }
0x61: {  	_ =	shalt  }
0x62: {  	_ =	shalt  }
0x63: {  	_ =	shalt  }
0x64: {  	_ =	shalt  }
0x65: {  	_ =	shalt  }
0x66: {  	_ =	shalt  }
0x67: {  	_ =	shalt  }
0x68: {  	_ =	shalt  }
0x69: {  	_ =	shalt  }
0x6a: {  	_ =	shalt  }
0x6b: {  	_ =	shalt  }
0x6c: {  	_ =	shalt  }
0x6d: {  	_ =	shalt  }
0x6e: {  	_ =	shalt  }
0x6f: {  	_ =	shalt  }
0x70: {  	_ =	shalt  }
0x71: {  	_ =	shalt  }
0x72: {  	_ =	shalt  }
0x73: {  	_ =	shalt  }
0x74: {  	_ =	shalt  }
0x75: {  	_ =	shalt  }
0x76: {  	_ =	shalt  }
0x77: {  	_ =	shalt  }
0x78: {  	_ =	shalt  }
0x79: {  	_ =	shalt  }
0x7a: {  	_ =	shalt  }
0x7b: {  	_ =	shalt  }
0x7c: {  	_ =	shalt  }
0x7d: {  	_ =	shalt  }
0x7e: {  	_ =	shalt  }
0x7f: {  	_ =	shalt  }
0x80: {  	_ =	shalt  }
0x81: {  	_ =	shalt  }
0x82: {  	_ =	shalt  }
0x83: {  	_ =	shalt  }
0x84: {  	_ =	shalt  }
0x85: {  	_ =	shalt  }
0x86: {  	_ =	shalt  }
0x87: {  	_ =	shalt  }
.Lfunc_end0:
.L_simem_size_0:
called_computation.2_lowered:
.L_overlay_start_0:
0x88: {  	s2 =	sld [smem:$0x3FD9]  }
0x89: {  	s3 =	sld [smem:$0x3FFE];
	_ =	sdelay $0x1  }
0x8a: {  	s1 =	srdreg.scid  }
0x8b: {  	s0 =	sand.u32 $0x1, s1  }
0x8c: {  	s16 =	sshll.u32 s0, $0xA;
	s2 =	sadd.s32 s3, s2  }
0x8d: {  	s2 =	sadd.s32 s2, s16  }
0x8e: {  	[smem:$0x3FBD] =	sst s2  }
0x8f: {  	_ = 	snop  }
0x90: {  	(tm) =	ssettm $0x1  }
0x91: {  	s17 =	sld [smem:$0x3FFB];
	_ =	sdelay $0x3  }
0x92: {  	_ =	strace s17  }
0x93: {  	s2 =	sld [smem:$0x3FFC];
	_ =	sdelay $0x3  }
0x94: {  	_ =	strace s2  }
0x95: {  	s2 =	sld [smem:$0x3FFD];
	_ =	sdelay $0x3  }
0x96: {  	_ =	strace s2  }
0x97: {  	_ =	strace $0x8FFFFFFF  }
0x98: {  	s18 =	sld [smem:$0x3FDB];
	_ =	sdelay $0x1  }
0x99: {  	s19 =	simm.s32 $_scs_section_size  }
0x9a: {  	s4 =	simm.s32 $_size__tile_overlayer_lowered;
	s5 =	simm.s32 $_tile_overlayer_lowered  }
0x9b: {  	s22 =	simm.s32 $0x1BFF;
	s21 =	sshll.u32 s5, $0x1;
	s2 =	sadd.s32 s19, s18  }
0x9c: {  	s6 =	simm.s32 $0x0;
	s20 =	sshll.u32 s4, $0x1;
	s4 =	sadd.s32 s21, s2  }
0x9d: {  	[timem:s6], [sflag:s22] =	dma.local [hbm:s4], s20  }
0x9e: {  	_ =	swait.ge [sflag:s22], s20  }
0x9f: {  	s3 =	ssub.s32 $0x0, s20;
	[sflag:s22] =	ssyncset.done $0x0  }
0xa0: {  	[sflag:s22] =	ssyncadd.s32 s3;
	_ =	sdelay $0x1  }
0xa1: {  	s23 =	simm.s32 $0x1B8B  }
0xa2: {  	_ =	swait.ge [sflag:s23], $0x1  }
0xa3: {  	[sflag:s23] =	ssyncset.done $0x0  }
0xa4: {  	s25 =	simm.s32 $0x1B8E;
	s24 =	sld [smem:$0x3FFE];
	[sflag:s23] =	ssyncadd.s32 $0xFFFFFFFF  }
0xa5: {  	s26 =	simm.s32 $execute0_lowered;
	[smem:$0x3FD2] =	sst s25  }
0xa6: {  	s4 =	sshll.u32 s26, $0x1;
	_ =	strace $0x8000004C;
	[dreg:$0x1] =	wrdreg $0xFFFFFFFF  }
0xa7: {  	s28 =	simm.s32 $_size_execute0_lowered;
	s2 =	sadd.s32 s2, s4;
	[dreg:$0x0] =	wrdreg $0x0  }
0xa8: {  	s4 =	sshll.u32 s28, $0x1;
	[dreg:$0x2] =	wrdreg s2  }
0xa9: {  	[dreg:$0x3] =	wrdreg s4  }
0xaa: {  	[dreg:$0x4] =	wrdreg $0xC0  }
0xab: {  	_ =	task [dreg:s6], $0x5FFFF  }
0xac: {  	[dreg:$0x1] =	wrdreg $0xFFFFFFFF  }
0xad: {  	[dreg:$0x0] =	wrdreg $0x60  }
0xae: {  	[dreg:$0x2] =	wrdreg s24  }
0xaf: {  	[dreg:$0x3] =	wrdreg $0x58000  }
0xb0: {  	[dreg:$0x4] =	wrdreg $0x6B880  }
0xb1: {  	[dreg:$0x5] =	wrdreg $0x9  }
0xb2: {  	_ =	task.clear_ibuf [dreg:s6], $0x6FFFF;
	_ =	strace $0x9000004C  }
0xb3: {  	s29 =	simm.s32 $0x9;
	_ =	strace $0x8000004E  }
0xb4: {  	_ =	swait.ge [sflag:s29], $0x1  }
0xb5: {  	[sflag:s29] =	ssyncadd.s32 $0xFFFFFFFF  }
0xb6: {  	_ =	strace $0x9000004E  }
0xb7: {  	_ =	sfence  }
0xb8: {  	s30 =	sld [smem:$0x0];
	_ =	sdelay $0x2  }
0xb9: {  	s31 =	sshll.u32 s1, $0xD;
	s1 =	sshrl.u32 s1, $0x2  }
0xba: {  	s3 =	sand.u32 $0x4000, s31;
	s1 =	sadd.s32 s1, s30  }
0xbb: {  	s0 =	sor.u32 s3, s0;
	s1 =	sshll.u32 s1, $0x11  }
0xbc: {  	s0 =	sor.u32 s1, s0  }
0xbd: {  	s0 =	sadd.s32 $0x8F2B, s0  }
0xbe: {  	[sflag:s0] =	ssyncadd.remote.s32 $0x1  }
0xbf: {  	_ =	sfence.sel $0xFFFF  }
0xc0: {  	[dreg:$0x0] =	wrdreg $0xFFFFFFFF;
	(pc) =	sbr.abs _section_cstart, $3  }
0xc1: {  	[dreg:$0x1] =	wrdreg $0xFFFFFFFF  }
0xc2: {  	_ =	task.clear_ibuf [dreg:s6], $0x2FFFF;
	_ =	strace $0x9FFFFFFF  }
0xc3: {  	(tm) =	ssettm $0x7FFFFFFF  }
tec
execute0_lowered:
.L_overlay_start_1:
0x0: {  	(tag) =	ssettag $0x1  }
0x1: {  	s6 =	rddreg [dreg:$0x0]  }
0x2: {  	s2 =	rddreg [dreg:$0x1]  }
0x3: {  	s0 =	srdreg.scid;
	s3 =	rddreg [dreg:$0x2];
	s4 =	simm.s32 $0x0  }
0x4: {  	s16 =	simm.s32 $0x80;
	s17 =	simm.s32 $0x5000;
	s18 =	simm.s32 $0x1  }
0x5: {  	s19 =	simm.s32 $0x5400;
	s20 =	simm.s32 $0x2;
	s21 =	simm.s32 $0x2780  }
0x6: {  	s22 =	simm.s32 $0x4F00;
	s5 =	sand.u32 $0x1, s0;
	s0 =	stileid.u32  }
0x7: {  	s23 =	simm.s32 $0x4F80;
	s24 =	simm.s32 $0x0;
	s7 =	smul.u32 $0x1388, s0  }
0x8: {  	[smem:$0x7FF] =	sst s4;
	s1 =	sshll.u32 s5, $0x4;
	s9 =	smul.u32 $0x1400, s0  }
0x9: {  	s10 =	smul.u32 $0x14000, s5;
	s5 =	ssub.s32 $0x2, s5;
	s1 =	sor.u32 s0, s1  }
0xa: {  	s31 =	sshll.u32 s0, $0x6;
	s30 =	sshrl.u32 s5, $0x1;
	s8 =	smul.u32 $0x500, s1  }
0xb: {  	s1 =	rddreg [dreg:$0x3];
	_ =	strace $0x8000004D;
	s11 =	sshrl.u32 s7, $0x3  }
0xc: {  	s10 =	sadd.s32 s9, s10;
	s12 =	sshrl.u32 s9, $0x3;
	s13 =	ssub.s32 s5, s30  }
0xd: {  	s14 =	sadd.s32 s7, s2;
	s15 =	sadd.s32 s9, s3;
	s11 =	sadd.s32 s11, s6  }
0xe: {  	s10 =	sshrl.u32 s10, $0x3;
	s12 =	sadd.s32 s12, s6;
	s14 =	sshrl.u32 s14, $0x3  }
0xf: {  	s15 =	sshrl.u32 s15, $0x3;
	s8 =	sadd.s32 s8, s6;
	s10 =	sadd.s32 s10, s6  }
0x10: {  	s7 =	sadd.s32 $0x1A00, s11;
	s11 =	simm.s32 $0x3;
	s5 =	sadd.s32 $0x22200, s8  }
0x11: {  	s6 =	sadd.s32 $0x18200, s8;
	s8 =	sadd.s32 $0x4200, s12;
	s9 =	sadd.s32 $0x6A00, s10  }
0x12: {  	s10 =	smax.u32 s13, $0x1;
	s12 =	simm.s32 $0x2800;
	s13 =	sor.u32 $0x1C03, s31  }
.LBB2_1:
0x13: {  	[tilespmem:s4], [sflag:$0x3] =	stream.linear.gather [hbm4b:s5+s4], $0x2800, $0x38;
	[tilespmem:$0x7F88] =	vst v63  }
0x14: {  	_ =	swait.ge [sflag:s11], $0x2800  }
0x15: {  	[sflag:s11] =	ssyncset.done $0x0  }
0x16: {  	[sflag:s11] =	ssyncadd.s32 $0xFFFFD800  }
0x17: {  	[tilespmem:s12], [sflag:$0x3] =	stream.linear.gather [hbm4b:s6+s4], $0x2800, $0x38;
	[tilespmem:$0x7F88] =	vst v63  }
0x18: {  	_ =	swait.ge [sflag:s11], $0x2800  }
0x19: {  	[sflag:s11] =	ssyncset.done $0x0  }
0x1a: {  	[sflag:s11] =	ssyncadd.s32 $0xFFFFD800  }
0x1b: {  	[spmem:s14], [sflag:s13] =	dma.local [hbm:s7], $0x271  }
0x1c: {  	_ =	swait.ge [sflag:s11], $0x271  }
0x1d: {  	[sflag:s11] =	ssyncset.done $0x0  }
0x1e: {  	[sflag:s11] =	ssyncadd.s32 $0xFFFFFD8F  }
0x1f: {  	[spmem:s15], [sflag:s13] =	dma.local [hbm:s8], $0x280  }
0x20: {  	_ =	swait.ge [sflag:s11], $0x280  }
0x21: {  	[sflag:s11] =	ssyncset.done $0x0  }
0x22: {  	[sflag:s11] =	ssyncadd.s32 $0xFFFFFD80  }
0x23: {  	[bflag:$0x0] =	sbarrier.arrive $0xFFFF  }
0x24: {  	[tilespmem:s17], [sflag:$0x1] =	stream.indirect.gather [spmem:s2], $0x8, s4, s16, $0xb8;
	[tilespmem:$0x7F88] =	vst v63  }
0x25: {  	_ =	swait.ge [sflag:s18], $0x400  }
0x26: {  	[sflag:s18] =	ssyncset.done $0x0  }
0x27: {  	s25 =	simm.s32 $0x80;
	[sflag:s18] =	ssyncadd.s32 $0xFFFFFC00  }
0x28: {  	[tilespmem:s19], [sflag:$0x2] =	stream.indirect.gather [spmem:s2], $0x8, s25, s16, $0xb8;
	[tilespmem:$0x7F88] =	vst v63  }
0x29: {  	s29 =	simm.s32 $0x2800  }
0x2a: {  	[spmem:s3] =	stream.indirect.scatter.add.f32 [tilespmem:s17], [sflag:$0x3], $0x8, s29, s16, $0xb8;
	[tilespmem:$0x7F88] =	vst v63  }
0x2b: {  	_ =	swait.ge [sflag:s11], $0x400  }
0x2c: {  	[sflag:s11] =	ssyncset.done $0x0  }
0x2d: {  	[sflag:s11] =	ssyncadd.s32 $0xFFFFFC00  }
0x2e: {  	_ =	swait.ge [sflag:s20], $0x400  }
0x2f: {  	[sflag:s20] =	ssyncset.done $0x0  }
0x30: {  	s30 =	simm.s32 $0x100;
	[sflag:s20] =	ssyncadd.s32 $0xFFFFFC00  }
0x31: {  	[tilespmem:s17], [sflag:$0x1] =	stream.indirect.gather [spmem:s2], $0x8, s30, s16, $0xb8;
	[tilespmem:$0x7F88] =	vst v63  }
0x32: {  	s31 =	simm.s32 $0x2880  }
0x33: {  	[spmem:s3] =	stream.indirect.scatter.add.f32 [tilespmem:s19], [sflag:$0x3], $0x8, s31, s16, $0xb8;
	[tilespmem:$0x7F88] =	vst v63  }
0x34: {  	_ =	swait.ge [sflag:s11], $0x400  }
0x35: {  	s25 =	simm.s32 $0x400;
	[sflag:s11] =	ssyncset.done $0x0  }
.LBB2_2:
0x36: {  	p0 =	sne.s32 s25, $0x9800  }
0x37: {  	[sflag:s11] =	ssyncadd.s32 $0xFFFFFC00;
	s26 =	smov.u32 s25;
	s25 =	sadd.s32 $0x400, s25  }
0x38: {  	_ = 	snop  }
0x39: {  	_ =	swait.ge [sflag:s18], $0x400  }
0x3a: {  	s26 =	sshra.s32 s26, $0x2;
	[sflag:s18] =	ssyncset.done $0x0  }
0x3b: {  	s28 =	sadd.s32 $0x80, s26;
	[sflag:s18] =	ssyncadd.s32 $0xFFFFFC00  }
0x3c: {  	[tilespmem:s19], [sflag:$0x2] =	stream.indirect.gather [spmem:s2], $0x8, s28, s16, $0xb8;
	[tilespmem:$0x7F88] =	vst v63  }
0x3d: {  	s28 =	sadd.s32 $0x2800, s26  }
0x3e: {  	[spmem:s3] =	stream.indirect.scatter.add.f32 [tilespmem:s17], [sflag:$0x3], $0x8, s28, s16, $0xb8;
	[tilespmem:$0x7F88] =	vst v63  }
0x3f: {  	_ =	swait.ge [sflag:s11], $0x400  }
0x40: {  	[sflag:s11] =	ssyncset.done $0x0  }
0x41: {  	[sflag:s11] =	ssyncadd.s32 $0xFFFFFC00  }
0x42: {  	_ =	swait.ge [sflag:s20], $0x400  }
0x43: {  	[sflag:s20] =	ssyncset.done $0x0  }
0x44: {  	s28 =	sadd.s32 $0x100, s26;
	[sflag:s20] =	ssyncadd.s32 $0xFFFFFC00  }
0x45: {  	[tilespmem:s17], [sflag:$0x1] =	stream.indirect.gather [spmem:s2], $0x8, s28, s16, $0xb8;
	[tilespmem:$0x7F88] =	vst v63  }
.Ltmp0:
0x46: {  	_ = 	snop;
	(pc) =	sbr.rel @p0 .LBB2_2-.Ltmp0, $4  }
0x47: {  	s26 =	sadd.s32 $0x2880, s26  }
0x48: {  	[spmem:s3] =	stream.indirect.scatter.add.f32 [tilespmem:s19], [sflag:$0x3], $0x8, s26, s16, $0xb8;
	[tilespmem:$0x7F88] =	vst v63  }
0x49: {  	_ =	swait.ge [sflag:s11], $0x400  }
0x4a: {  	[sflag:s11] =	ssyncset.done $0x0  }
0x4b: {  	[sflag:s11] =	ssyncadd.s32 $0xFFFFFC00  }
0x4c: {  	_ =	swait.ge [sflag:s18], $0x400  }
0x4d: {  	[sflag:s18] =	ssyncset.done $0x0  }
0x4e: {  	[sflag:s18] =	ssyncadd.s32 $0xFFFFFC00  }
0x4f: {  	[tilespmem:s19], [sflag:$0x2] =	stream.indirect.gather [spmem:s2], $0x8, s21, s16, $0xb8;
	[tilespmem:$0x7F88] =	vst v63  }
0x50: {  	_ = 	snop  }
0x51: {  	[spmem:s3] =	stream.indirect.scatter.add.f32 [tilespmem:s17], [sflag:$0x3], $0x8, s22, s16, $0xb8;
	[tilespmem:$0x7F88] =	vst v63  }
0x52: {  	_ =	swait.ge [sflag:s11], $0x400  }
0x53: {  	[sflag:s11] =	ssyncset.done $0x0  }
0x54: {  	[sflag:s11] =	ssyncadd.s32 $0xFFFFFC00  }
0x55: {  	_ =	swait.ge [sflag:s20], $0x400  }
0x56: {  	[sflag:s20] =	ssyncset.done $0x0  }
0x57: {  	[sflag:s20] =	ssyncadd.s32 $0xFFFFFC00  }
0x58: {  	[tilespmem:s17], [sflag:$0x1] =	stream.indirect.gather [spmem:s2], $0x8, s21, s16, $0xb8;
	[tilespmem:$0x7F88] =	vst v63  }
0x59: {  	_ = 	snop  }
0x5a: {  	[spmem:s3] =	stream.indirect.scatter.add.f32 [tilespmem:s19], [sflag:$0x3], $0x8, s23, s16, $0xb8;
	[tilespmem:$0x7F88] =	vst v63  }
0x5b: {  	_ =	swait.ge [sflag:s11], $0x400  }
0x5c: {  	[sflag:s11] =	ssyncset.done $0x0  }
0x5d: {  	[sflag:s11] =	ssyncadd.s32 $0xFFFFFC00  }
0x5e: {  	_ =	swait.ge [sflag:s18], $0x400  }
0x5f: {  	s24 =	sadd.s32 $0x1, s24;
	[sflag:s18] =	ssyncset.done $0x0  }
0x60: {  	p0 =	sne.s32 s24, s10;
	[sflag:s18] =	ssyncadd.s32 $0xFFFFFC00  }
.Ltmp1:
0x61: {  	[bflag:$0x0] =	sbarrier.arrive $0xFFFF;
	(pc) =	sbr.rel @p0 .LBB2_1-.Ltmp1, $4  }
0x62: {  	[hbm:s9], [sflag:s13] =	dma.local [spmem:s15], $0x280  }
0x63: {  	_ =	swait.ge [sflag:s11], $0x280  }
0x64: {  	[sflag:s11] =	ssyncset.done $0x0  }
0x65: {  	[sflag:s11] =	ssyncadd.s32 $0xFFFFFD80  }
0x66: {  	_ =	sfence.sel $0x180000  }
0x67: {  	[bflag:$0x0] =	sbarrier.arrive $0xFFFF  }
0x68: {  	p0 =	sne.s32 s0, $0x0;
	_ =	strace $0x9000004D  }
0x69: {  	s0 =	sadd.s32 @!p0 $0x100000, s1;
	[bflag:$0x2] =	sbarrier.arrive $0xFFFF  }
0x6a: {  	[sflag:s0] =	ssyncadd.tile.s32 @!p0 $0x1;
	_ =	shalt  }
.Lfunc_end2:
_tile_overlayer_lowered:
.L_overlay_start_2:
0x6b: {  	(tag) =	ssettag $0x2  }
0x6c: {  	s0 =	rddreg [dreg:$0x0];
	s2 =	stileid.u32  }
0x6d: {  	s1 =	rddreg [dreg:$0x1];
	p0 =	sne.s32 s2, $0x0  }
0x6e: {  	s3 =	rddreg [dreg:$0x2];
	[bflag:$0x3] =	sbarrier.arrive $0xFFFF;
	s2 =	simm.s32 @!p0 $0x1C03  }
0x6f: {  	[timem:s3], [sflag:s2] =	dma.local @!p0 [hbm:s0], s1  }
0x70: {  	s0 =	simm.s32 @!p0 $0x3  }
0x71: {  	_ =	swait.ge @!p0 [sflag:s0], s1  }
0x72: {  	s1 =	ssub.s32 @!p0 $0x0, s1;
	[sflag:s0] =	ssyncset.done @!p0 $0x0  }
0x73: {  	[sflag:s0] =	ssyncadd.s32 @!p0 s1  }
0x74: {  	[bflag:$0x3] =	sbarrier.arrive $0xFFFF  }
0x75: {  	_ =	shalt  }

// kernel: kernel.9.cloned.1.call-start
scs
__scs_entry_jumppad:
0x0: {  	(pc) =	sbr.rel $0x88, $3  }
0x1: {  	(tag) =	ssettag $0x0;
	lr =	simm.s32 $0x1  }
0x2: {  	[smem:$0x3F96] =	sst lr;
	_ =	strace $0xD0000000  }
0x3: {  	_ = 	snop  }
0x4: {  	_ = 	snop  }
0x5: {  	_ = 	snop  }
0x6: {  	_ = 	snop  }
0x7: {  	_ = 	snop  }
__scs_overlays_trampoline_lowered:
0x8: {  	[smem:$0x3FA5] =	sst s0  }
0x9: {  	[smem:$0x3FA6] =	sst s1  }
0xa: {  	[smem:$0x3FA7] =	sst s2  }
0xb: {  	[smem:$0x3FA8] =	sst s3  }
0xc: {  	[smem:$0x3FA9] =	sst s4  }
0xd: {  	[smem:$0x3FAA] =	sst s5  }
0xe: {  	[smem:$0x3FAB] =	sst s6  }
0xf: {  	[smem:$0x3FAC] =	sst s7  }
0x10: {  	[smem:$0x3FAD] =	sst s8  }
0x11: {  	[smem:$0x3FAE] =	sst s9;
	s0 =	simm.s32 @!p0 $0x0  }
0x12: {  	s1 =	sld [smem:$0x3F94];
	s0 =	simm.s32 @p0 $0x1  }
0x13: {  	[smem:$0x3FAF] =	sst s0;
	s0 =	simm.s32 @!p1 $0x0  }
0x14: {  	s2 =	sld [smem:$0x3F93];
	s0 =	simm.s32 @p1 $0x1  }
0x15: {  	[smem:$0x3FB0] =	sst s0;
	s0 =	simm.s32 @!p2 $0x0  }
0x16: {  	s3 =	sld [smem:$0x3FDB];
	s0 =	simm.s32 @p2 $0x1  }
0x17: {  	s4 =	simm.s32 $0x1BF5;
	[smem:$0x3FB2] =	sst s0  }
0x18: {  	s0 =	sld [smem:$0x3F95];
	_ =	swait.ge [sflag:s4], $0x0  }
0x19: {  	s7 =	sld [smem:$0x3F96]  }
0x1a: {  	s8 =	sadd.s32 $0xFFFFE003, lr  }
0x1b: {  	s9 =	sadd.s32 $0xFFFFFEF7, lr;
	s5 =	simm.s32 $0xFFFFFFFF;
	p2 =	slt.u32 s8, $0xFFFFF086  }
0x1c: {  	p1 =	slt.u32 s9, $0xF7A;
	s5 =	simm.s32 @!p2 $0x0  }
0x1d: {  	s5 =	simm.s32 @p1 $0x1;
	p0 =	seq.s32 s7, s2  }
0x1e: {  	s7 =	smul.u32 @!p0 $0xF7A, s2;
	p2 =	seq.s32 @!p0 s5, $0x0  }
0x1f: {  	s9 =	smul.u32 $0xF7A, s1;
	s8 =	simm.s32 @!p0 $0x1BF5;
	p2 =	por !p2, p0  }
0x20: {  	[sflag:s8] =	ssyncset.s32 @!p0 $0xFFFFF086;
	s6 =	sadd.s32 @!p0 s3, s7;
	s7 =	simm.s32 @!p0 $0x108  }
0x21: {  	s3 =	sadd.s32 s3, s9;
	s6 =	sadd.s32 @!p0 $0x88, s6;
	s7 =	simm.s32 @p2 $0x1082  }
0x22: {  	[simem:s7], [sflag:s8] =	dma.local @!p0 [hbm:s6], $0xF7A  }
0x23: {  	s9 =	sor.u32 $0xD0000000, s2;
	s6 =	simm.s32 $0x108;
	_ =	swait.ge @!p0 [sflag:s8], $0x0  }
0x24: {  	s3 =	sadd.s32 $0x88, s3;
	s6 =	simm.s32 @!p1 $0x1082;
	[sflag:s4] =	ssyncset.s32 $0xFFFFF086  }
0x25: {  	[simem:s6], [sflag:s4] =	dma.local [hbm:s3], $0xF7A  }
0x26: {  	[smem:$0x3F96] =	sst s1;
	(tag) =	ssettag s2;
	_ =	strace s9  }
0x27: {  	s1 =	sld [smem:$0x3FA6]  }
0x28: {  	s2 =	sld [smem:$0x3FA7]  }
0x29: {  	s4 =	sld [smem:$0x3FA9]  }
0x2a: {  	p0 =	seq.s32 s5, $0x0;
	s5 =	sld [smem:$0x3FAA]  }
0x2b: {  	s6 =	sld [smem:$0x3FAB]  }
0x2c: {  	s7 =	sld [smem:$0x3FAC]  }
0x2d: {  	s3 =	simm.s32 $0x108;
	s8 =	sld [smem:$0x3FAD]  }
0x2e: {  	s3 =	simm.s32 @!p0 $0x1082;
	s9 =	sld [smem:$0x3FAE]  }
0x2f: {  	lr =	sadd.s32 s0, s3;
	s0 =	sld [smem:$0x3FA5]  }
0x30: {  	s3 =	sld [smem:$0x3FA8]  }
0x31: {  	[smem:$0x3FB1] =	sst s10  }
0x32: {  	s10 =	sld [smem:$0x3FAF];
	_ =	sdelay $0x3  }
0x33: {  	p0 =	seq.s32 s10, $0x1;
	s10 =	sld [smem:$0x3FB1];
	_ =	sdelay $0x3  }
0x34: {  	[smem:$0x3FB1] =	sst s10  }
0x35: {  	s10 =	sld [smem:$0x3FB0];
	_ =	sdelay $0x3  }
0x36: {  	p1 =	seq.s32 s10, $0x1;
	s10 =	sld [smem:$0x3FB1];
	_ =	sdelay $0x3  }
0x37: {  	[smem:$0x3FB1] =	sst s10  }
0x38: {  	s10 =	sld [smem:$0x3FB2]  }
0x39: {  	_ = 	snop;
	(pc) =	sbr.ind lr, $3  }
0x3a: {  	_ = 	snop  }
0x3b: {  	_ = 	snop  }
0x3c: {  	p2 =	seq.s32 s10, $0x1;
	s10 =	sld [smem:$0x3FB1]  }
0x3d: {  	_ =	shalt  }
0x3e: {  	_ =	shalt  }
0x3f: {  	_ =	shalt  }
0x40: {  	_ =	shalt  }
0x41: {  	_ =	shalt  }
0x42: {  	_ =	shalt  }
0x43: {  	_ =	shalt  }
0x44: {  	_ =	shalt  }
0x45: {  	_ =	shalt  }
0x46: {  	_ =	shalt  }
0x47: {  	_ =	shalt  }
0x48: {  	_ =	shalt  }
0x49: {  	_ =	shalt  }
0x4a: {  	_ =	shalt  }
0x4b: {  	_ =	shalt  }
0x4c: {  	_ =	shalt  }
0x4d: {  	_ =	shalt  }
0x4e: {  	_ =	shalt  }
0x4f: {  	_ =	shalt  }
0x50: {  	_ =	shalt  }
0x51: {  	_ =	shalt  }
0x52: {  	_ =	shalt  }
0x53: {  	_ =	shalt  }
0x54: {  	_ =	shalt  }
0x55: {  	_ =	shalt  }
0x56: {  	_ =	shalt  }
0x57: {  	_ =	shalt  }
0x58: {  	_ =	shalt  }
0x59: {  	_ =	shalt  }
0x5a: {  	_ =	shalt  }
0x5b: {  	_ =	shalt  }
0x5c: {  	_ =	shalt  }
0x5d: {  	_ =	shalt  }
0x5e: {  	_ =	shalt  }
0x5f: {  	_ =	shalt  }
0x60: {  	_ =	shalt  }
0x61: {  	_ =	shalt  }
0x62: {  	_ =	shalt  }
0x63: {  	_ =	shalt  }
0x64: {  	_ =	shalt  }
0x65: {  	_ =	shalt  }
0x66: {  	_ =	shalt  }
0x67: {  	_ =	shalt  }
0x68: {  	_ =	shalt  }
0x69: {  	_ =	shalt  }
0x6a: {  	_ =	shalt  }
0x6b: {  	_ =	shalt  }
0x6c: {  	_ =	shalt  }
0x6d: {  	_ =	shalt  }
0x6e: {  	_ =	shalt  }
0x6f: {  	_ =	shalt  }
0x70: {  	_ =	shalt  }
0x71: {  	_ =	shalt  }
0x72: {  	_ =	shalt  }
0x73: {  	_ =	shalt  }
0x74: {  	_ =	shalt  }
0x75: {  	_ =	shalt  }
0x76: {  	_ =	shalt  }
0x77: {  	_ =	shalt  }
0x78: {  	_ =	shalt  }
0x79: {  	_ =	shalt  }
0x7a: {  	_ =	shalt  }
0x7b: {  	_ =	shalt  }
0x7c: {  	_ =	shalt  }
0x7d: {  	_ =	shalt  }
0x7e: {  	_ =	shalt  }
0x7f: {  	_ =	shalt  }
0x80: {  	_ =	shalt  }
0x81: {  	_ =	shalt  }
0x82: {  	_ =	shalt  }
0x83: {  	_ =	shalt  }
0x84: {  	_ =	shalt  }
0x85: {  	_ =	shalt  }
0x86: {  	_ =	shalt  }
0x87: {  	_ =	shalt  }
.Lfunc_end0:
.L_simem_size_0:
called_computation_lowered:
.L_overlay_start_0:
0x88: {  	s2 =	sld [smem:$0x3FD9]  }
0x89: {  	s3 =	sld [smem:$0x3FFE];
	_ =	sdelay $0x1  }
0x8a: {  	s1 =	srdreg.scid  }
0x8b: {  	s0 =	sand.u32 $0x1, s1  }
0x8c: {  	s16 =	sshll.u32 s0, $0xA;
	s2 =	sadd.s32 s3, s2  }
0x8d: {  	s2 =	sadd.s32 s2, s16  }
0x8e: {  	[smem:$0x3FBD] =	sst s2  }
0x8f: {  	_ = 	snop  }
0x90: {  	(tm) =	ssettm $0x1  }
0x91: {  	s17 =	sld [smem:$0x3FFB];
	_ =	sdelay $0x3  }
0x92: {  	_ =	strace s17  }
0x93: {  	s2 =	sld [smem:$0x3FFC];
	_ =	sdelay $0x3  }
0x94: {  	_ =	strace s2  }
0x95: {  	s2 =	sld [smem:$0x3FFD];
	_ =	sdelay $0x3  }
0x96: {  	_ =	strace s2  }
0x97: {  	_ =	strace $0x8FFFFFFF  }
0x98: {  	s18 =	sld [smem:$0x3FDB];
	_ =	sdelay $0x1  }
0x99: {  	s19 =	simm.s32 $_scs_section_size  }
0x9a: {  	s4 =	simm.s32 $_size__tile_overlayer_lowered;
	s5 =	simm.s32 $_tile_overlayer_lowered  }
0x9b: {  	s22 =	simm.s32 $0x1BFF;
	s21 =	sshll.u32 s5, $0x1;
	s2 =	sadd.s32 s19, s18  }
0x9c: {  	s6 =	simm.s32 $0x0;
	s20 =	sshll.u32 s4, $0x1;
	s4 =	sadd.s32 s21, s2  }
0x9d: {  	[timem:s6], [sflag:s22] =	dma.local [hbm:s4], s20  }
0x9e: {  	_ =	swait.ge [sflag:s22], s20  }
0x9f: {  	s3 =	ssub.s32 $0x0, s20;
	[sflag:s22] =	ssyncset.done $0x0  }
0xa0: {  	[sflag:s22] =	ssyncadd.s32 s3;
	_ =	sdelay $0x1  }
0xa1: {  	s23 =	simm.s32 $0x1B8B  }
0xa2: {  	_ =	swait.ge [sflag:s23], $0x1  }
0xa3: {  	[sflag:s23] =	ssyncset.done $0x0  }
0xa4: {  	s25 =	simm.s32 $0x1B8E;
	s24 =	sld [smem:$0x3FFE];
	[sflag:s23] =	ssyncadd.s32 $0xFFFFFFFF  }
0xa5: {  	s26 =	simm.s32 $execute0_lowered;
	[smem:$0x3FD2] =	sst s25  }
0xa6: {  	s4 =	sshll.u32 s26, $0x1;
	_ =	strace $0x80000046;
	[dreg:$0x1] =	wrdreg $0xFFFFFFFF  }
0xa7: {  	s28 =	simm.s32 $_size_execute0_lowered;
	s2 =	sadd.s32 s2, s4;
	[dreg:$0x0] =	wrdreg $0x0  }
0xa8: {  	s4 =	sshll.u32 s28, $0x1;
	[dreg:$0x2] =	wrdreg s2  }
0xa9: {  	[dreg:$0x3] =	wrdreg s4  }
0xaa: {  	[dreg:$0x4] =	wrdreg $0xC0  }
0xab: {  	_ =	task [dreg:s6], $0x5FFFF  }
0xac: {  	[dreg:$0x1] =	wrdreg $0xFFFFFFFF  }
0xad: {  	[dreg:$0x0] =	wrdreg $0x60  }
0xae: {  	[dreg:$0x2] =	wrdreg s24  }
0xaf: {  	[dreg:$0x3] =	wrdreg $0x98000  }
0xb0: {  	[dreg:$0x4] =	wrdreg $0x147C80  }
0xb1: {  	[dreg:$0x5] =	wrdreg $0x9  }
0xb2: {  	_ =	task.clear_ibuf [dreg:s6], $0x6FFFF;
	_ =	strace $0x90000046  }
0xb3: {  	s29 =	simm.s32 $0x9;
	_ =	strace $0x80000048  }
0xb4: {  	_ =	swait.ge [sflag:s29], $0x1  }
0xb5: {  	[sflag:s29] =	ssyncadd.s32 $0xFFFFFFFF  }
0xb6: {  	_ =	strace $0x90000048  }
0xb7: {  	_ =	sfence  }
0xb8: {  	s30 =	sld [smem:$0x0];
	_ =	sdelay $0x2  }
0xb9: {  	s31 =	sshll.u32 s1, $0xD;
	s1 =	sshrl.u32 s1, $0x2  }
0xba: {  	s3 =	sand.u32 $0x4000, s31;
	s1 =	sadd.s32 s1, s30  }
0xbb: {  	s0 =	sor.u32 s3, s0;
	s1 =	sshll.u32 s1, $0x11  }
0xbc: {  	s0 =	sor.u32 s1, s0  }
0xbd: {  	s0 =	sadd.s32 $0x8F2B, s0  }
0xbe: {  	[sflag:s0] =	ssyncadd.remote.s32 $0x1  }
0xbf: {  	_ =	sfence.sel $0xFFFF  }
0xc0: {  	[dreg:$0x0] =	wrdreg $0xFFFFFFFF;
	(pc) =	sbr.abs _section_cstart, $3  }
0xc1: {  	[dreg:$0x1] =	wrdreg $0xFFFFFFFF  }
0xc2: {  	_ =	task.clear_ibuf [dreg:s6], $0x2FFFF;
	_ =	strace $0x9FFFFFFF  }
0xc3: {  	(tm) =	ssettm $0x7FFFFFFF  }
tec
execute0_lowered:
.L_overlay_start_1:
0x0: {  	(tag) =	ssettag $0x1  }
0x1: {  	s6 =	rddreg [dreg:$0x0]  }
0x2: {  	s2 =	rddreg [dreg:$0x1]  }
0x3: {  	s0 =	srdreg.scid;
	s3 =	rddreg [dreg:$0x2];
	s4 =	simm.s32 $0x0  }
0x4: {  	s16 =	simm.s32 $0x80;
	s17 =	simm.s32 $0x5000;
	s18 =	simm.s32 $0x1  }
0x5: {  	s19 =	simm.s32 $0x7400;
	s20 =	simm.s32 $0x2;
	s21 =	simm.s32 $0x2780  }
0x6: {  	s22 =	simm.s32 $0x4F00;
	s5 =	sand.u32 $0x1, s0;
	s0 =	stileid.u32  }
0x7: {  	s23 =	simm.s32 $0x4F80;
	s24 =	simm.s32 $0x0;
	s7 =	smul.u32 $0xAFC8, s0  }
0x8: {  	[smem:$0x7FF] =	sst s4;
	s1 =	sshll.u32 s5, $0x4;
	s9 =	smul.u32 $0xB400, s0  }
0x9: {  	s10 =	smul.u32 $0xB4000, s5;
	s5 =	ssub.s32 $0x2, s5;
	s1 =	sor.u32 s0, s1  }
0xa: {  	s31 =	sshll.u32 s0, $0x6;
	s30 =	sshrl.u32 s5, $0x1;
	s8 =	smul.u32 $0x500, s1  }
0xb: {  	s1 =	rddreg [dreg:$0x3];
	_ =	strace $0x80000047;
	s11 =	sshrl.u32 s7, $0x3  }
0xc: {  	s10 =	sadd.s32 s9, s10;
	s12 =	sshrl.u32 s9, $0x3;
	s13 =	ssub.s32 s5, s30  }
0xd: {  	s14 =	sadd.s32 s7, s2;
	s15 =	sadd.s32 s9, s3;
	s11 =	sadd.s32 s11, s6  }
0xe: {  	s10 =	sshrl.u32 s10, $0x3;
	s12 =	sadd.s32 s12, s6;
	s14 =	sshrl.u32 s14, $0x3  }
0xf: {  	s15 =	sshrl.u32 s15, $0x3;
	s8 =	sadd.s32 s8, s6;
	s10 =	sadd.s32 s10, s6  }
0x10: {  	s7 =	sadd.s32 $0x1A00, s11;
	s11 =	simm.s32 $0x3;
	s5 =	sadd.s32 $0x22200, s8  }
0x11: {  	s6 =	sadd.s32 $0x18200, s8;
	s8 =	sadd.s32 $0x2C200, s12;
	s9 =	sadd.s32 $0x42A00, s10  }
0x12: {  	s10 =	smax.u32 s13, $0x1;
	s12 =	simm.s32 $0x2800;
	s13 =	sor.u32 $0x1C03, s31  }
.LBB2_1:
0x13: {  	[tilespmem:s4], [sflag:$0x3] =	stream.linear.gather [hbm4b:s5+s4], $0x2800, $0x38;
	[tilespmem:$0x1FBC8] =	vst v63  }
0x14: {  	_ =	swait.ge [sflag:s11], $0x2800  }
0x15: {  	[sflag:s11] =	ssyncset.done $0x0  }
0x16: {  	[sflag:s11] =	ssyncadd.s32 $0xFFFFD800  }
0x17: {  	[tilespmem:s12], [sflag:$0x3] =	stream.linear.gather [hbm4b:s6+s4], $0x2800, $0x38;
	[tilespmem:$0x1FBC8] =	vst v63  }
0x18: {  	_ =	swait.ge [sflag:s11], $0x2800  }
0x19: {  	[sflag:s11] =	ssyncset.done $0x0  }
0x1a: {  	[sflag:s11] =	ssyncadd.s32 $0xFFFFD800  }
0x1b: {  	[spmem:s14], [sflag:s13] =	dma.local [hbm:s7], $0x15F9  }
0x1c: {  	_ =	swait.ge [sflag:s11], $0x15F9  }
0x1d: {  	[sflag:s11] =	ssyncset.done $0x0  }
0x1e: {  	[sflag:s11] =	ssyncadd.s32 $0xFFFFEA07  }
0x1f: {  	[spmem:s15], [sflag:s13] =	dma.local [hbm:s8], $0x1680  }
0x20: {  	_ =	swait.ge [sflag:s11], $0x1680  }
0x21: {  	[sflag:s11] =	ssyncset.done $0x0  }
0x22: {  	[sflag:s11] =	ssyncadd.s32 $0xFFFFE980  }
0x23: {  	[bflag:$0x0] =	sbarrier.arrive $0xFFFF  }
0x24: {  	[tilespmem:s17], [sflag:$0x1] =	stream.indirect.gather [spmem:s2], $0x48, s4, s16, $0xb8;
	[tilespmem:$0x1FBC8] =	vst v63  }
0x25: {  	_ =	swait.ge [sflag:s18], $0x2400  }
0x26: {  	[sflag:s18] =	ssyncset.done $0x0  }
0x27: {  	s25 =	simm.s32 $0x80;
	[sflag:s18] =	ssyncadd.s32 $0xFFFFDC00  }
0x28: {  	[tilespmem:s19], [sflag:$0x2] =	stream.indirect.gather [spmem:s2], $0x48, s25, s16, $0xb8;
	[tilespmem:$0x1FBC8] =	vst v63  }
0x29: {  	s29 =	simm.s32 $0x2800  }
0x2a: {  	[spmem:s3] =	stream.indirect.scatter.add.f32 [tilespmem:s17], [sflag:$0x3], $0x48, s29, s16, $0xb8;
	[tilespmem:$0x1FBC8] =	vst v63  }
0x2b: {  	_ =	swait.ge [sflag:s11], $0x2400  }
0x2c: {  	[sflag:s11] =	ssyncset.done $0x0  }
0x2d: {  	[sflag:s11] =	ssyncadd.s32 $0xFFFFDC00  }
0x2e: {  	_ =	swait.ge [sflag:s20], $0x2400  }
0x2f: {  	[sflag:s20] =	ssyncset.done $0x0  }
0x30: {  	s30 =	simm.s32 $0x100;
	[sflag:s20] =	ssyncadd.s32 $0xFFFFDC00  }
0x31: {  	[tilespmem:s17], [sflag:$0x1] =	stream.indirect.gather [spmem:s2], $0x48, s30, s16, $0xb8;
	[tilespmem:$0x1FBC8] =	vst v63  }
0x32: {  	s31 =	simm.s32 $0x2880  }
0x33: {  	[spmem:s3] =	stream.indirect.scatter.add.f32 [tilespmem:s19], [sflag:$0x3], $0x48, s31, s16, $0xb8;
	[tilespmem:$0x1FBC8] =	vst v63  }
0x34: {  	_ =	swait.ge [sflag:s11], $0x2400  }
0x35: {  	s25 =	simm.s32 $0x400;
	[sflag:s11] =	ssyncset.done $0x0  }
.LBB2_2:
0x36: {  	p0 =	sne.s32 s25, $0x9800  }
0x37: {  	[sflag:s11] =	ssyncadd.s32 $0xFFFFDC00;
	s26 =	smov.u32 s25;
	s25 =	sadd.s32 $0x400, s25  }
0x38: {  	_ = 	snop  }
0x39: {  	_ =	swait.ge [sflag:s18], $0x2400  }
0x3a: {  	s26 =	sshra.s32 s26, $0x2;
	[sflag:s18] =	ssyncset.done $0x0  }
0x3b: {  	s28 =	sadd.s32 $0x80, s26;
	[sflag:s18] =	ssyncadd.s32 $0xFFFFDC00  }
0x3c: {  	[tilespmem:s19], [sflag:$0x2] =	stream.indirect.gather [spmem:s2], $0x48, s28, s16, $0xb8;
	[tilespmem:$0x1FBC8] =	vst v63  }
0x3d: {  	s28 =	sadd.s32 $0x2800, s26  }
0x3e: {  	[spmem:s3] =	stream.indirect.scatter.add.f32 [tilespmem:s17], [sflag:$0x3], $0x48, s28, s16, $0xb8;
	[tilespmem:$0x1FBC8] =	vst v63  }
0x3f: {  	_ =	swait.ge [sflag:s11], $0x2400  }
0x40: {  	[sflag:s11] =	ssyncset.done $0x0  }
0x41: {  	[sflag:s11] =	ssyncadd.s32 $0xFFFFDC00  }
0x42: {  	_ =	swait.ge [sflag:s20], $0x2400  }
0x43: {  	[sflag:s20] =	ssyncset.done $0x0  }
0x44: {  	s28 =	sadd.s32 $0x100, s26;
	[sflag:s20] =	ssyncadd.s32 $0xFFFFDC00  }
0x45: {  	[tilespmem:s17], [sflag:$0x1] =	stream.indirect.gather [spmem:s2], $0x48, s28, s16, $0xb8;
	[tilespmem:$0x1FBC8] =	vst v63  }
.Ltmp0:
0x46: {  	_ = 	snop;
	(pc) =	sbr.rel @p0 .LBB2_2-.Ltmp0, $4  }
0x47: {  	s26 =	sadd.s32 $0x2880, s26  }
0x48: {  	[spmem:s3] =	stream.indirect.scatter.add.f32 [tilespmem:s19], [sflag:$0x3], $0x48, s26, s16, $0xb8;
	[tilespmem:$0x1FBC8] =	vst v63  }
0x49: {  	_ =	swait.ge [sflag:s11], $0x2400  }
0x4a: {  	[sflag:s11] =	ssyncset.done $0x0  }
0x4b: {  	[sflag:s11] =	ssyncadd.s32 $0xFFFFDC00  }
0x4c: {  	_ =	swait.ge [sflag:s18], $0x2400  }
0x4d: {  	[sflag:s18] =	ssyncset.done $0x0  }
0x4e: {  	[sflag:s18] =	ssyncadd.s32 $0xFFFFDC00  }
0x4f: {  	[tilespmem:s19], [sflag:$0x2] =	stream.indirect.gather [spmem:s2], $0x48, s21, s16, $0xb8;
	[tilespmem:$0x1FBC8] =	vst v63  }
0x50: {  	_ = 	snop  }
0x51: {  	[spmem:s3] =	stream.indirect.scatter.add.f32 [tilespmem:s17], [sflag:$0x3], $0x48, s22, s16, $0xb8;
	[tilespmem:$0x1FBC8] =	vst v63  }
0x52: {  	_ =	swait.ge [sflag:s11], $0x2400  }
0x53: {  	[sflag:s11] =	ssyncset.done $0x0  }
0x54: {  	[sflag:s11] =	ssyncadd.s32 $0xFFFFDC00  }
0x55: {  	_ =	swait.ge [sflag:s20], $0x2400  }
0x56: {  	[sflag:s20] =	ssyncset.done $0x0  }
0x57: {  	[sflag:s20] =	ssyncadd.s32 $0xFFFFDC00  }
0x58: {  	[tilespmem:s17], [sflag:$0x1] =	stream.indirect.gather [spmem:s2], $0x48, s21, s16, $0xb8;
	[tilespmem:$0x1FBC8] =	vst v63  }
0x59: {  	_ = 	snop  }
0x5a: {  	[spmem:s3] =	stream.indirect.scatter.add.f32 [tilespmem:s19], [sflag:$0x3], $0x48, s23, s16, $0xb8;
	[tilespmem:$0x1FBC8] =	vst v63  }
0x5b: {  	_ =	swait.ge [sflag:s11], $0x2400  }
0x5c: {  	[sflag:s11] =	ssyncset.done $0x0  }
0x5d: {  	[sflag:s11] =	ssyncadd.s32 $0xFFFFDC00  }
0x5e: {  	_ =	swait.ge [sflag:s18], $0x2400  }
0x5f: {  	s24 =	sadd.s32 $0x1, s24;
	[sflag:s18] =	ssyncset.done $0x0  }
0x60: {  	p0 =	sne.s32 s24, s10;
	[sflag:s18] =	ssyncadd.s32 $0xFFFFDC00  }
.Ltmp1:
0x61: {  	[bflag:$0x0] =	sbarrier.arrive $0xFFFF;
	(pc) =	sbr.rel @p0 .LBB2_1-.Ltmp1, $4  }
0x62: {  	[hbm:s9], [sflag:s13] =	dma.local [spmem:s15], $0x1680  }
0x63: {  	_ =	swait.ge [sflag:s11], $0x1680  }
0x64: {  	[sflag:s11] =	ssyncset.done $0x0  }
0x65: {  	[sflag:s11] =	ssyncadd.s32 $0xFFFFE980  }
0x66: {  	_ =	sfence.sel $0x180000  }
0x67: {  	[bflag:$0x0] =	sbarrier.arrive $0xFFFF  }
0x68: {  	p0 =	sne.s32 s0, $0x0;
	_ =	strace $0x90000047  }
0x69: {  	s0 =	sadd.s32 @!p0 $0x100000, s1;
	[bflag:$0x2] =	sbarrier.arrive $0xFFFF  }
0x6a: {  	[sflag:s0] =	ssyncadd.tile.s32 @!p0 $0x1;
	_ =	shalt  }
.Lfunc_end2:
_tile_overlayer_lowered:
.L_overlay_start_2:
0x6b: {  	(tag) =	ssettag $0x2  }
0x6c: {  	s0 =	rddreg [dreg:$0x0];
	s2 =	stileid.u32  }
0x6d: {  	s1 =	rddreg [dreg:$0x1];
	p0 =	sne.s32 s2, $0x0  }
0x6e: {  	s3 =	rddreg [dreg:$0x2];
	[bflag:$0x3] =	sbarrier.arrive $0xFFFF;
	s2 =	simm.s32 @!p0 $0x1C03  }
0x6f: {  	[timem:s3], [sflag:s2] =	dma.local @!p0 [hbm:s0], s1  }
0x70: {  	s0 =	simm.s32 @!p0 $0x3  }
0x71: {  	_ =	swait.ge @!p0 [sflag:s0], s1  }
0x72: {  	s1 =	ssub.s32 @!p0 $0x0, s1;
	[sflag:s0] =	ssyncset.done @!p0 $0x0  }
0x73: {  	[sflag:s0] =	ssyncadd.s32 @!p0 s1  }
0x74: {  	[bflag:$0x3] =	sbarrier.arrive $0xFFFF  }
0x75: {  	_ =	shalt  }

</sc_bundles>
